<compile_context>
chip_gen: v7x
topology: tpu7x:2x2x1
jax: 0.10.2.dev20260603
libtpu: 0.0.44.dev20260713+nightly
codegen_flags: <defaults>
</compile_context>

<pallas_src>
import functools

import jax
import jax.numpy as jnp
from jax import lax
from jax.experimental import pallas as pl
from jax.experimental.pallas import tpu as pltpu
from jax.experimental.pallas import tpu_sc as plsc

NC = 2
NS = 16
NW = NC * NS

CHUNK = 256
NBUF = 4
LEAD = 2


@functools.lru_cache(maxsize=None)
def _build(n_rows: int, d: int):
    b_per_w = n_rows // NW
    n_chunks = b_per_w // CHUNK
    assert n_rows % NW == 0 and b_per_w % CHUNK == 0
    n_steady = n_chunks - 2 * LEAD
    assert n_steady % NBUF == 0 and n_chunks >= 2 * LEAD

    mesh = plsc.VectorSubcoreMesh(core_axis_name="c", subcore_axis_name="s")

    @functools.partial(
        pl.kernel,
        mesh=mesh,
        compiler_params=pltpu.CompilerParams(use_tc_tiling_on_sc=False),
        out_type=jax.ShapeDtypeStruct((n_rows, d), jnp.float32),
        scratch_types=[
            pltpu.VMEM((n_chunks, CHUNK), jnp.int32),
            pltpu.VMEM((NBUF, CHUNK, d), jnp.float32),
            pltpu.SemaphoreType.DMA,
            pltpu.SemaphoreType.DMA,
        ],
    )
    def gather_kernel(idx_hbm, table_hbm, out_hbm, idx_v, stage, gsem, wsem):
        wid = lax.axis_index("s") * NC + lax.axis_index("c")
        base = wid * b_per_w

        pltpu.sync_copy(idx_hbm.at[wid], idx_v)

        def fire_gather(c, b):
            pltpu.async_copy(table_hbm.at[idx_v.at[c]], stage.at[b], gsem)

        def drain_gather(b):
            pltpu.make_async_copy(
                out_hbm.at[pl.ds(0, CHUNK)], stage.at[b], gsem).wait()

        def fire_write(c, b):
            pltpu.async_copy(
                stage.at[b], out_hbm.at[pl.ds(base + c * CHUNK, CHUNK)], wsem)

        def drain_write(b):
            pltpu.make_async_copy(
                stage.at[b], out_hbm.at[pl.ds(0, CHUNK)], wsem).wait()

        for c in range(LEAD):
            fire_gather(c, c % NBUF)
        for c in range(LEAD):
            drain_gather(c % NBUF)
            fire_write(c, c % NBUF)
            fire_gather(c + LEAD, (c + LEAD) % NBUF)

        def body(i, carry):
            c0 = LEAD + i * NBUF
            for b in range(NBUF):
                bb = (LEAD + b) % NBUF
                c = c0 + b
                drain_gather(bb)
                fire_write(c, bb)
                drain_write((bb + LEAD) % NBUF)
                fire_gather(c + LEAD, (bb + LEAD) % NBUF)
            return carry

        lax.fori_loop(0, n_steady // NBUF, body, 0, unroll=False)

        for c in range(n_chunks - LEAD, n_chunks):
            bb = c % NBUF
            drain_gather(bb)
            fire_write(c, bb)
            drain_write((bb + LEAD) % NBUF)
        for c in range(n_chunks - LEAD, n_chunks):
            drain_write(c % NBUF)

    return gather_kernel


def kernel(x, embedding):
    n_rows = x.size
    d = embedding.shape[1]
    xr = x.reshape(-1).astype(jnp.int32)
    xr = xr.reshape(NW, n_rows // (NW * CHUNK), CHUNK)
    out = _build(n_rows, d)(xr, embedding)
    return out.reshape(*x.shape, d)

# --- scband reference (transcript-rebuilt; emitter-appended) ---
"""Pipeline reference for scband-ldmautoencoder-11716670783542 (READ-ONLY COPY).

The authoritative reference and input builder live on the scoring server;
editing this copy changes nothing except your own understanding.
"""

import jax, jax.numpy as jnp
import numpy as np

N_EMBED = 100000
EMBED_DIM = 64

def setup_inputs(seed: int = 0) -> dict:
    key = jax.random.key(seed)
    k1, k2 = jax.random.split(key)
    x = jax.random.randint(k1, (4096, 200), 0, N_EMBED, dtype=jnp.int64 if jax.config.jax_enable_x64 else jnp.int32)
    embedding = jax.random.normal(k2, (N_EMBED, EMBED_DIM), dtype=jnp.float32) * 0.02
    return {"x": x, "embedding": embedding}

def reference(x, embedding):
    # Faithful to LDMAutoencoder.embed: nn.Embed lookup -> table[idx]
    return jnp.take(embedding, x, axis=0)

if __name__ == "__main__":
    import jax
    _d = setup_inputs()
    print(jax.jit(kernel)(*tuple(_d.values())))

</pallas_src>

<mosaic_0001>
#map = affine_map<(d0, d1) -> (0, 0, 0)>
#map1 = affine_map<(d0, d1) -> (0, 0)>
module attributes {stable_mosaic.version = 14 : i64} {
  func.func @gather_kernel(%arg0: i32, %arg1: i32, %arg2: memref<32x100x256xi32, #tpu.memory_space<hbm>>, %arg3: memref<100000x64xf32, #tpu.memory_space<hbm>>, %arg4: memref<819200x64xf32, #tpu.memory_space<hbm>>, %arg5: memref<100x256xi32, #tpu.memory_space<vmem>>, %arg6: memref<4x256x64xf32, #tpu.memory_space<vmem>>, %arg7: memref<!tpu.dma_semaphore, #tpu.memory_space<semaphore_mem>>, %arg8: memref<!tpu.dma_semaphore, #tpu.memory_space<semaphore_mem>>) attributes {dimension_semantics = [#tpu.dimension_semantics<core_parallel>, #tpu.dimension_semantics<subcore_parallel>], iteration_bounds = array<i64: 2, 16>, scalar_prefetch = 0 : i64, scratch_operands = 4 : i64, tpu.core_type = #tpu.core_type<sc_vector_subcore>, window_params = [{transform_indices = #map}, {transform_indices = #map1}, {transform_indices = #map1}]} {
    %mul3A = arith.constant 2 : i32
    %mul3A_0 = arith.muli %arg1, %mul3A : i32
    %add3A = arith.addi %mul3A_0, %arg0 : i32
    %mul3A_1 = arith.constant 25600 : i32
    %mul3A_2 = arith.muli %add3A, %mul3A_1 : i32
    "tpu.region"() ({
      %run_scoped3A = tpu.sem_alloc : memref<!tpu.dma_semaphore, #tpu.memory_space<semaphore_mem>>
      %dma_start3A_234 = arith.constant 0 : i32
      %dma_start3A_235 = arith.constant 0 : i32
      %dma_start3A_236 = tpu.memref_slice %arg2[%add3A, %dma_start3A_234, %dma_start3A_235] : memref<32x100x256xi32, #tpu.memory_space<hbm>> -> memref<1x100x256xi32, #tpu.memory_space<hbm>>
      %dma_start3A_237 = tpu.memref_squeeze %dma_start3A_236 : memref<1x100x256xi32, #tpu.memory_space<hbm>> -> memref<100x256xi32, #tpu.memory_space<hbm>>
      %dma_start3A_238 = arith.constant 0 : i32
      %dma_start3A_239 = arith.constant 0 : i32
      %dma_start3A_240 = tpu.memref_slice %arg2[%add3A, %dma_start3A_238, %dma_start3A_239] : memref<32x100x256xi32, #tpu.memory_space<hbm>> -> memref<1x100x256xi32, #tpu.memory_space<hbm>>
      %dma_start3A_241 = tpu.memref_squeeze %dma_start3A_240 : memref<1x100x256xi32, #tpu.memory_space<hbm>> -> memref<100x256xi32, #tpu.memory_space<hbm>>
      tpu.enqueue_dma source(%dma_start3A_241 : memref<100x256xi32, #tpu.memory_space<hbm>>) target(%arg5 : memref<100x256xi32, #tpu.memory_space<vmem>>) target_semaphore(%run_scoped3A : memref<!tpu.dma_semaphore, #tpu.memory_space<semaphore_mem>>)
      %dma_wait3A_242 = arith.constant 0 : i32
      %dma_wait3A_243 = arith.constant 0 : i32
      %dma_wait3A_244 = tpu.memref_slice %arg2[%add3A, %dma_wait3A_242, %dma_wait3A_243] : memref<32x100x256xi32, #tpu.memory_space<hbm>> -> memref<1x100x256xi32, #tpu.memory_space<hbm>>
      %dma_wait3A_245 = tpu.memref_squeeze %dma_wait3A_244 : memref<1x100x256xi32, #tpu.memory_space<hbm>> -> memref<100x256xi32, #tpu.memory_space<hbm>>
      %dma_wait3A_246 = arith.constant 0 : i32
      %dma_wait3A_247 = arith.constant 0 : i32
      %dma_wait3A_248 = tpu.memref_slice %arg2[%add3A, %dma_wait3A_246, %dma_wait3A_247] : memref<32x100x256xi32, #tpu.memory_space<hbm>> -> memref<1x100x256xi32, #tpu.memory_space<hbm>>
      %dma_wait3A_249 = tpu.memref_squeeze %dma_wait3A_248 : memref<1x100x256xi32, #tpu.memory_space<hbm>> -> memref<100x256xi32, #tpu.memory_space<hbm>>
      tpu.wait_dma2 semaphore(%run_scoped3A : memref<!tpu.dma_semaphore, #tpu.memory_space<semaphore_mem>>) src(%dma_wait3A_249 : memref<100x256xi32, #tpu.memory_space<hbm>>) dst(%arg5 : memref<100x256xi32, #tpu.memory_space<vmem>>)
      tpu.yield
    }) : () -> ()
    %dma_start3A = arith.constant 0 : i32
    %dma_start3A_3 = arith.constant 0 : i32
    %dma_start3A_4 = arith.constant 0 : i32
    %dma_start3A_5 = arith.constant 0 : i32
    %dma_start3A_6 = tpu.memref_slice %arg6[%dma_start3A_3, %dma_start3A_4, %dma_start3A_5] : memref<4x256x64xf32, #tpu.memory_space<vmem>> -> memref<1x256x64xf32, #tpu.memory_space<vmem>>
    %dma_start3A_7 = tpu.memref_squeeze %dma_start3A_6 : memref<1x256x64xf32, #tpu.memory_space<vmem>> -> memref<256x64xf32, #tpu.memory_space<vmem>>
    %dma_start3A_8 = arith.constant 0 : i32
    %dma_start3A_9 = tpu.memref_slice %arg5[%dma_start3A, %dma_start3A_8] : memref<100x256xi32, #tpu.memory_space<vmem>> -> memref<1x256xi32, #tpu.memory_space<vmem>>
    %dma_start3A_10 = tpu.memref_squeeze %dma_start3A_9 : memref<1x256xi32, #tpu.memory_space<vmem>> -> memref<256xi32, #tpu.memory_space<vmem>>
    %dma_start3A_11 = arith.constant 0 : i32
    %dma_start3A_12 = arith.constant 0 : i32
    %dma_start3A_13 = tpu.memref_slice %arg3[%dma_start3A_11, %dma_start3A_12] : memref<100000x64xf32, #tpu.memory_space<hbm>> -> memref<100000x64xf32, #tpu.memory_space<hbm>>
    tpu.enqueue_indirect_dma source(%dma_start3A_13 : memref<100000x64xf32, #tpu.memory_space<hbm>>) target(%dma_start3A_7 : memref<256x64xf32, #tpu.memory_space<vmem>>) offsets(%dma_start3A_10 : memref<256xi32, #tpu.memory_space<vmem>>) semaphore(%arg7 : memref<!tpu.dma_semaphore, #tpu.memory_space<semaphore_mem>>)
    %dma_start3A_14 = arith.constant 1 : i32
    %dma_start3A_15 = arith.constant 1 : i32
    %dma_start3A_16 = arith.constant 0 : i32
    %dma_start3A_17 = arith.constant 0 : i32
    %dma_start3A_18 = tpu.memref_slice %arg6[%dma_start3A_15, %dma_start3A_16, %dma_start3A_17] : memref<4x256x64xf32, #tpu.memory_space<vmem>> -> memref<1x256x64xf32, #tpu.memory_space<vmem>>
    %dma_start3A_19 = tpu.memref_squeeze %dma_start3A_18 : memref<1x256x64xf32, #tpu.memory_space<vmem>> -> memref<256x64xf32, #tpu.memory_space<vmem>>
    %dma_start3A_20 = arith.constant 0 : i32
    %dma_start3A_21 = tpu.memref_slice %arg5[%dma_start3A_14, %dma_start3A_20] : memref<100x256xi32, #tpu.memory_space<vmem>> -> memref<1x256xi32, #tpu.memory_space<vmem>>
    %dma_start3A_22 = tpu.memref_squeeze %dma_start3A_21 : memref<1x256xi32, #tpu.memory_space<vmem>> -> memref<256xi32, #tpu.memory_space<vmem>>
    %dma_start3A_23 = arith.constant 0 : i32
    %dma_start3A_24 = arith.constant 0 : i32
    %dma_start3A_25 = tpu.memref_slice %arg3[%dma_start3A_23, %dma_start3A_24] : memref<100000x64xf32, #tpu.memory_space<hbm>> -> memref<100000x64xf32, #tpu.memory_space<hbm>>
    tpu.enqueue_indirect_dma source(%dma_start3A_25 : memref<100000x64xf32, #tpu.memory_space<hbm>>) target(%dma_start3A_19 : memref<256x64xf32, #tpu.memory_space<vmem>>) offsets(%dma_start3A_22 : memref<256xi32, #tpu.memory_space<vmem>>) semaphore(%arg7 : memref<!tpu.dma_semaphore, #tpu.memory_space<semaphore_mem>>)
    %dma_wait3A = arith.constant 0 : i32
    %dma_wait3A_26 = arith.constant 0 : i32
    %dma_wait3A_27 = arith.constant 0 : i32
    %dma_wait3A_28 = tpu.memref_slice %arg6[%dma_wait3A, %dma_wait3A_26, %dma_wait3A_27] : memref<4x256x64xf32, #tpu.memory_space<vmem>> -> memref<1x256x64xf32, #tpu.memory_space<vmem>>
    %dma_wait3A_29 = tpu.memref_squeeze %dma_wait3A_28 : memref<1x256x64xf32, #tpu.memory_space<vmem>> -> memref<256x64xf32, #tpu.memory_space<vmem>>
    %dma_wait3A_30 = arith.constant 0 : i32
    %dma_wait3A_31 = arith.constant 0 : i32
    %dma_wait3A_32 = tpu.memref_slice %arg4[%dma_wait3A_30, %dma_wait3A_31] : memref<819200x64xf32, #tpu.memory_space<hbm>> -> memref<256x64xf32, #tpu.memory_space<hbm>>
    %dma_wait3A_33 = arith.constant 0 : i32
    %dma_wait3A_34 = arith.constant 0 : i32
    %dma_wait3A_35 = tpu.memref_slice %arg6[%dma_wait3A, %dma_wait3A_33, %dma_wait3A_34] : memref<4x256x64xf32, #tpu.memory_space<vmem>> -> memref<1x256x64xf32, #tpu.memory_space<vmem>>
    %dma_wait3A_36 = tpu.memref_squeeze %dma_wait3A_35 : memref<1x256x64xf32, #tpu.memory_space<vmem>> -> memref<256x64xf32, #tpu.memory_space<vmem>>
    %dma_wait3A_37 = arith.constant 0 : i32
    %dma_wait3A_38 = arith.constant 0 : i32
    %dma_wait3A_39 = tpu.memref_slice %arg4[%dma_wait3A_37, %dma_wait3A_38] : memref<819200x64xf32, #tpu.memory_space<hbm>> -> memref<256x64xf32, #tpu.memory_space<hbm>>
    tpu.wait_dma2 semaphore(%arg7 : memref<!tpu.dma_semaphore, #tpu.memory_space<semaphore_mem>>) src(%dma_wait3A_39 : memref<256x64xf32, #tpu.memory_space<hbm>>) dst(%dma_wait3A_36 : memref<256x64xf32, #tpu.memory_space<vmem>>)
    %add3A_40 = arith.constant 0 : i32
    %add3A_41 = arith.addi %mul3A_2, %add3A_40 : i32
    %dma_start3A_42 = arith.constant 0 : i32
    %dma_start3A_43 = arith.constant 0 : i32
    %dma_start3A_44 = arith.constant 0 : i32
    %dma_start3A_45 = tpu.memref_slice %arg6[%dma_start3A_42, %dma_start3A_43, %dma_start3A_44] : memref<4x256x64xf32, #tpu.memory_space<vmem>> -> memref<1x256x64xf32, #tpu.memory_space<vmem>>
    %dma_start3A_46 = tpu.memref_squeeze %dma_start3A_45 : memref<1x256x64xf32, #tpu.memory_space<vmem>> -> memref<256x64xf32, #tpu.memory_space<vmem>>
    %dma_start3A_47 = arith.constant 0 : i32
    %dma_start3A_48 = tpu.memref_slice %arg4[%add3A_41, %dma_start3A_47] : memref<819200x64xf32, #tpu.memory_space<hbm>> -> memref<256x64xf32, #tpu.memory_space<hbm>>
    %dma_start3A_49 = arith.constant 0 : i32
    %dma_start3A_50 = tpu.memref_slice %arg4[%add3A_41, %dma_start3A_49] : memref<819200x64xf32, #tpu.memory_space<hbm>> -> memref<256x64xf32, #tpu.memory_space<hbm>>
    %dma_start3A_51 = arith.constant 0 : i32
    %dma_start3A_52 = arith.constant 0 : i32
    %dma_start3A_53 = tpu.memref_slice %arg6[%dma_start3A_42, %dma_start3A_51, %dma_start3A_52] : memref<4x256x64xf32, #tpu.memory_space<vmem>> -> memref<1x256x64xf32, #tpu.memory_space<vmem>>
    %dma_start3A_54 = tpu.memref_squeeze %dma_start3A_53 : memref<1x256x64xf32, #tpu.memory_space<vmem>> -> memref<256x64xf32, #tpu.memory_space<vmem>>
    tpu.enqueue_dma source(%dma_start3A_54 : memref<256x64xf32, #tpu.memory_space<vmem>>) target(%dma_start3A_50 : memref<256x64xf32, #tpu.memory_space<hbm>>) target_semaphore(%arg8 : memref<!tpu.dma_semaphore, #tpu.memory_space<semaphore_mem>>)
    %dma_start3A_55 = arith.constant 2 : i32
    %dma_start3A_56 = arith.constant 2 : i32
    %dma_start3A_57 = arith.constant 0 : i32
    %dma_start3A_58 = arith.constant 0 : i32
    %dma_start3A_59 = tpu.memref_slice %arg6[%dma_start3A_56, %dma_start3A_57, %dma_start3A_58] : memref<4x256x64xf32, #tpu.memory_space<vmem>> -> memref<1x256x64xf32, #tpu.memory_space<vmem>>
    %dma_start3A_60 = tpu.memref_squeeze %dma_start3A_59 : memref<1x256x64xf32, #tpu.memory_space<vmem>> -> memref<256x64xf32, #tpu.memory_space<vmem>>
    %dma_start3A_61 = arith.constant 0 : i32
    %dma_start3A_62 = tpu.memref_slice %arg5[%dma_start3A_55, %dma_start3A_61] : memref<100x256xi32, #tpu.memory_space<vmem>> -> memref<1x256xi32, #tpu.memory_space<vmem>>
    %dma_start3A_63 = tpu.memref_squeeze %dma_start3A_62 : memref<1x256xi32, #tpu.memory_space<vmem>> -> memref<256xi32, #tpu.memory_space<vmem>>
    %dma_start3A_64 = arith.constant 0 : i32
    %dma_start3A_65 = arith.constant 0 : i32
    %dma_start3A_66 = tpu.memref_slice %arg3[%dma_start3A_64, %dma_start3A_65] : memref<100000x64xf32, #tpu.memory_space<hbm>> -> memref<100000x64xf32, #tpu.memory_space<hbm>>
    tpu.enqueue_indirect_dma source(%dma_start3A_66 : memref<100000x64xf32, #tpu.memory_space<hbm>>) target(%dma_start3A_60 : memref<256x64xf32, #tpu.memory_space<vmem>>) offsets(%dma_start3A_63 : memref<256xi32, #tpu.memory_space<vmem>>) semaphore(%arg7 : memref<!tpu.dma_semaphore, #tpu.memory_space<semaphore_mem>>)
    %dma_wait3A_67 = arith.constant 1 : i32
    %dma_wait3A_68 = arith.constant 0 : i32
    %dma_wait3A_69 = arith.constant 0 : i32
    %dma_wait3A_70 = tpu.memref_slice %arg6[%dma_wait3A_67, %dma_wait3A_68, %dma_wait3A_69] : memref<4x256x64xf32, #tpu.memory_space<vmem>> -> memref<1x256x64xf32, #tpu.memory_space<vmem>>
    %dma_wait3A_71 = tpu.memref_squeeze %dma_wait3A_70 : memref<1x256x64xf32, #tpu.memory_space<vmem>> -> memref<256x64xf32, #tpu.memory_space<vmem>>
    %dma_wait3A_72 = arith.constant 0 : i32
    %dma_wait3A_73 = arith.constant 0 : i32
    %dma_wait3A_74 = tpu.memref_slice %arg4[%dma_wait3A_72, %dma_wait3A_73] : memref<819200x64xf32, #tpu.memory_space<hbm>> -> memref<256x64xf32, #tpu.memory_space<hbm>>
    %dma_wait3A_75 = arith.constant 0 : i32
    %dma_wait3A_76 = arith.constant 0 : i32
    %dma_wait3A_77 = tpu.memref_slice %arg6[%dma_wait3A_67, %dma_wait3A_75, %dma_wait3A_76] : memref<4x256x64xf32, #tpu.memory_space<vmem>> -> memref<1x256x64xf32, #tpu.memory_space<vmem>>
    %dma_wait3A_78 = tpu.memref_squeeze %dma_wait3A_77 : memref<1x256x64xf32, #tpu.memory_space<vmem>> -> memref<256x64xf32, #tpu.memory_space<vmem>>
    %dma_wait3A_79 = arith.constant 0 : i32
    %dma_wait3A_80 = arith.constant 0 : i32
    %dma_wait3A_81 = tpu.memref_slice %arg4[%dma_wait3A_79, %dma_wait3A_80] : memref<819200x64xf32, #tpu.memory_space<hbm>> -> memref<256x64xf32, #tpu.memory_space<hbm>>
    tpu.wait_dma2 semaphore(%arg7 : memref<!tpu.dma_semaphore, #tpu.memory_space<semaphore_mem>>) src(%dma_wait3A_81 : memref<256x64xf32, #tpu.memory_space<hbm>>) dst(%dma_wait3A_78 : memref<256x64xf32, #tpu.memory_space<vmem>>)
    %add3A_82 = arith.constant 256 : i32
    %add3A_83 = arith.addi %mul3A_2, %add3A_82 : i32
    %dma_start3A_84 = arith.constant 1 : i32
    %dma_start3A_85 = arith.constant 0 : i32
    %dma_start3A_86 = arith.constant 0 : i32
    %dma_start3A_87 = tpu.memref_slice %arg6[%dma_start3A_84, %dma_start3A_85, %dma_start3A_86] : memref<4x256x64xf32, #tpu.memory_space<vmem>> -> memref<1x256x64xf32, #tpu.memory_space<vmem>>
    %dma_start3A_88 = tpu.memref_squeeze %dma_start3A_87 : memref<1x256x64xf32, #tpu.memory_space<vmem>> -> memref<256x64xf32, #tpu.memory_space<vmem>>
    %dma_start3A_89 = arith.constant 0 : i32
    %dma_start3A_90 = tpu.memref_slice %arg4[%add3A_83, %dma_start3A_89] : memref<819200x64xf32, #tpu.memory_space<hbm>> -> memref<256x64xf32, #tpu.memory_space<hbm>>
    %dma_start3A_91 = arith.constant 0 : i32
    %dma_start3A_92 = tpu.memref_slice %arg4[%add3A_83, %dma_start3A_91] : memref<819200x64xf32, #tpu.memory_space<hbm>> -> memref<256x64xf32, #tpu.memory_space<hbm>>
    %dma_start3A_93 = arith.constant 0 : i32
    %dma_start3A_94 = arith.constant 0 : i32
    %dma_start3A_95 = tpu.memref_slice %arg6[%dma_start3A_84, %dma_start3A_93, %dma_start3A_94] : memref<4x256x64xf32, #tpu.memory_space<vmem>> -> memref<1x256x64xf32, #tpu.memory_space<vmem>>
    %dma_start3A_96 = tpu.memref_squeeze %dma_start3A_95 : memref<1x256x64xf32, #tpu.memory_space<vmem>> -> memref<256x64xf32, #tpu.memory_space<vmem>>
    tpu.enqueue_dma source(%dma_start3A_96 : memref<256x64xf32, #tpu.memory_space<vmem>>) target(%dma_start3A_92 : memref<256x64xf32, #tpu.memory_space<hbm>>) target_semaphore(%arg8 : memref<!tpu.dma_semaphore, #tpu.memory_space<semaphore_mem>>)
    %dma_start3A_97 = arith.constant 3 : i32
    %dma_start3A_98 = arith.constant 3 : i32
    %dma_start3A_99 = arith.constant 0 : i32
    %dma_start3A_100 = arith.constant 0 : i32
    %dma_start3A_101 = tpu.memref_slice %arg6[%dma_start3A_98, %dma_start3A_99, %dma_start3A_100] : memref<4x256x64xf32, #tpu.memory_space<vmem>> -> memref<1x256x64xf32, #tpu.memory_space<vmem>>
    %dma_start3A_102 = tpu.memref_squeeze %dma_start3A_101 : memref<1x256x64xf32, #tpu.memory_space<vmem>> -> memref<256x64xf32, #tpu.memory_space<vmem>>
    %dma_start3A_103 = arith.constant 0 : i32
    %dma_start3A_104 = tpu.memref_slice %arg5[%dma_start3A_97, %dma_start3A_103] : memref<100x256xi32, #tpu.memory_space<vmem>> -> memref<1x256xi32, #tpu.memory_space<vmem>>
    %dma_start3A_105 = tpu.memref_squeeze %dma_start3A_104 : memref<1x256xi32, #tpu.memory_space<vmem>> -> memref<256xi32, #tpu.memory_space<vmem>>
    %dma_start3A_106 = arith.constant 0 : i32
    %dma_start3A_107 = arith.constant 0 : i32
    %dma_start3A_108 = tpu.memref_slice %arg3[%dma_start3A_106, %dma_start3A_107] : memref<100000x64xf32, #tpu.memory_space<hbm>> -> memref<100000x64xf32, #tpu.memory_space<hbm>>
    tpu.enqueue_indirect_dma source(%dma_start3A_108 : memref<100000x64xf32, #tpu.memory_space<hbm>>) target(%dma_start3A_102 : memref<256x64xf32, #tpu.memory_space<vmem>>) offsets(%dma_start3A_105 : memref<256xi32, #tpu.memory_space<vmem>>) semaphore(%arg7 : memref<!tpu.dma_semaphore, #tpu.memory_space<semaphore_mem>>)
    %scan3A = arith.constant 0 : i32
    %scan3A_109 = arith.constant 0 : i32
    %scan3A_110 = arith.constant 24 : i32
    %scan3A_111 = arith.addi %scan3A_109, %scan3A_110 : i32
    %scan3A_112 = arith.constant 1 : i32
    scf.for %scan3A_234 = %scan3A_109 to %scan3A_111 step %scan3A_112  : i32 {
      %mul3A_235 = arith.constant 4 : i32
      %mul3A_236 = arith.muli %scan3A_234, %mul3A_235 : i32
      %add3A_237 = arith.constant 2 : i32
      %add3A_238 = arith.addi %add3A_237, %mul3A_236 : i32
      %add3A_239 = arith.constant 0 : i32
      %add3A_240 = arith.addi %add3A_238, %add3A_239 : i32
      %dma_wait3A_241 = arith.constant 2 : i32
      %dma_wait3A_242 = arith.constant 0 : i32
      %dma_wait3A_243 = arith.constant 0 : i32
      %dma_wait3A_244 = tpu.memref_slice %arg6[%dma_wait3A_241, %dma_wait3A_242, %dma_wait3A_243] : memref<4x256x64xf32, #tpu.memory_space<vmem>> -> memref<1x256x64xf32, #tpu.memory_space<vmem>>
      %dma_wait3A_245 = tpu.memref_squeeze %dma_wait3A_244 : memref<1x256x64xf32, #tpu.memory_space<vmem>> -> memref<256x64xf32, #tpu.memory_space<vmem>>
      %dma_wait3A_246 = arith.constant 0 : i32
      %dma_wait3A_247 = arith.constant 0 : i32
      %dma_wait3A_248 = tpu.memref_slice %arg4[%dma_wait3A_246, %dma_wait3A_247] : memref<819200x64xf32, #tpu.memory_space<hbm>> -> memref<256x64xf32, #tpu.memory_space<hbm>>
      %dma_wait3A_249 = arith.constant 0 : i32
      %dma_wait3A_250 = arith.constant 0 : i32
      %dma_wait3A_251 = tpu.memref_slice %arg6[%dma_wait3A_241, %dma_wait3A_249, %dma_wait3A_250] : memref<4x256x64xf32, #tpu.memory_space<vmem>> -> memref<1x256x64xf32, #tpu.memory_space<vmem>>
      %dma_wait3A_252 = tpu.memref_squeeze %dma_wait3A_251 : memref<1x256x64xf32, #tpu.memory_space<vmem>> -> memref<256x64xf32, #tpu.memory_space<vmem>>
      %dma_wait3A_253 = arith.constant 0 : i32
      %dma_wait3A_254 = arith.constant 0 : i32
      %dma_wait3A_255 = tpu.memref_slice %arg4[%dma_wait3A_253, %dma_wait3A_254] : memref<819200x64xf32, #tpu.memory_space<hbm>> -> memref<256x64xf32, #tpu.memory_space<hbm>>
      tpu.wait_dma2 semaphore(%arg7 : memref<!tpu.dma_semaphore, #tpu.memory_space<semaphore_mem>>) src(%dma_wait3A_255 : memref<256x64xf32, #tpu.memory_space<hbm>>) dst(%dma_wait3A_252 : memref<256x64xf32, #tpu.memory_space<vmem>>)
      %mul3A_256 = arith.constant 256 : i32
      %mul3A_257 = arith.muli %add3A_240, %mul3A_256 : i32
      %add3A_258 = arith.addi %mul3A_2, %mul3A_257 : i32
      %dma_start3A_259 = arith.constant 2 : i32
      %dma_start3A_260 = arith.constant 0 : i32
      %dma_start3A_261 = arith.constant 0 : i32
      %dma_start3A_262 = tpu.memref_slice %arg6[%dma_start3A_259, %dma_start3A_260, %dma_start3A_261] : memref<4x256x64xf32, #tpu.memory_space<vmem>> -> memref<1x256x64xf32, #tpu.memory_space<vmem>>
      %dma_start3A_263 = tpu.memref_squeeze %dma_start3A_262 : memref<1x256x64xf32, #tpu.memory_space<vmem>> -> memref<256x64xf32, #tpu.memory_space<vmem>>
      %dma_start3A_264 = arith.constant 0 : i32
      %dma_start3A_265 = tpu.memref_slice %arg4[%add3A_258, %dma_start3A_264] : memref<819200x64xf32, #tpu.memory_space<hbm>> -> memref<256x64xf32, #tpu.memory_space<hbm>>
      %dma_start3A_266 = arith.constant 0 : i32
      %dma_start3A_267 = tpu.memref_slice %arg4[%add3A_258, %dma_start3A_266] : memref<819200x64xf32, #tpu.memory_space<hbm>> -> memref<256x64xf32, #tpu.memory_space<hbm>>
      %dma_start3A_268 = arith.constant 0 : i32
      %dma_start3A_269 = arith.constant 0 : i32
      %dma_start3A_270 = tpu.memref_slice %arg6[%dma_start3A_259, %dma_start3A_268, %dma_start3A_269] : memref<4x256x64xf32, #tpu.memory_space<vmem>> -> memref<1x256x64xf32, #tpu.memory_space<vmem>>
      %dma_start3A_271 = tpu.memref_squeeze %dma_start3A_270 : memref<1x256x64xf32, #tpu.memory_space<vmem>> -> memref<256x64xf32, #tpu.memory_space<vmem>>
      tpu.enqueue_dma source(%dma_start3A_271 : memref<256x64xf32, #tpu.memory_space<vmem>>) target(%dma_start3A_267 : memref<256x64xf32, #tpu.memory_space<hbm>>) target_semaphore(%arg8 : memref<!tpu.dma_semaphore, #tpu.memory_space<semaphore_mem>>)
      %dma_wait3A_272 = arith.constant 0 : i32
      %dma_wait3A_273 = arith.constant 0 : i32
      %dma_wait3A_274 = arith.constant 0 : i32
      %dma_wait3A_275 = tpu.memref_slice %arg6[%dma_wait3A_272, %dma_wait3A_273, %dma_wait3A_274] : memref<4x256x64xf32, #tpu.memory_space<vmem>> -> memref<1x256x64xf32, #tpu.memory_space<vmem>>
      %dma_wait3A_276 = tpu.memref_squeeze %dma_wait3A_275 : memref<1x256x64xf32, #tpu.memory_space<vmem>> -> memref<256x64xf32, #tpu.memory_space<vmem>>
      %dma_wait3A_277 = arith.constant 0 : i32
      %dma_wait3A_278 = arith.constant 0 : i32
      %dma_wait3A_279 = tpu.memref_slice %arg4[%dma_wait3A_277, %dma_wait3A_278] : memref<819200x64xf32, #tpu.memory_space<hbm>> -> memref<256x64xf32, #tpu.memory_space<hbm>>
      %dma_wait3A_280 = arith.constant 0 : i32
      %dma_wait3A_281 = arith.constant 0 : i32
      %dma_wait3A_282 = tpu.memref_slice %arg4[%dma_wait3A_280, %dma_wait3A_281] : memref<819200x64xf32, #tpu.memory_space<hbm>> -> memref<256x64xf32, #tpu.memory_space<hbm>>
      %dma_wait3A_283 = arith.constant 0 : i32
      %dma_wait3A_284 = arith.constant 0 : i32
      %dma_wait3A_285 = tpu.memref_slice %arg6[%dma_wait3A_272, %dma_wait3A_283, %dma_wait3A_284] : memref<4x256x64xf32, #tpu.memory_space<vmem>> -> memref<1x256x64xf32, #tpu.memory_space<vmem>>
      %dma_wait3A_286 = tpu.memref_squeeze %dma_wait3A_285 : memref<1x256x64xf32, #tpu.memory_space<vmem>> -> memref<256x64xf32, #tpu.memory_space<vmem>>
      tpu.wait_dma2 semaphore(%arg8 : memref<!tpu.dma_semaphore, #tpu.memory_space<semaphore_mem>>) src(%dma_wait3A_286 : memref<256x64xf32, #tpu.memory_space<vmem>>) dst(%dma_wait3A_282 : memref<256x64xf32, #tpu.memory_space<hbm>>)
      %add3A_287 = arith.constant 2 : i32
      %add3A_288 = arith.addi %add3A_240, %add3A_287 : i32
      %dma_start3A_289 = arith.constant 0 : i32
      %dma_start3A_290 = arith.constant 0 : i32
      %dma_start3A_291 = arith.constant 0 : i32
      %dma_start3A_292 = tpu.memref_slice %arg6[%dma_start3A_289, %dma_start3A_290, %dma_start3A_291] : memref<4x256x64xf32, #tpu.memory_space<vmem>> -> memref<1x256x64xf32, #tpu.memory_space<vmem>>
      %dma_start3A_293 = tpu.memref_squeeze %dma_start3A_292 : memref<1x256x64xf32, #tpu.memory_space<vmem>> -> memref<256x64xf32, #tpu.memory_space<vmem>>
      %dma_start3A_294 = arith.constant 0 : i32
      %dma_start3A_295 = tpu.memref_slice %arg5[%add3A_288, %dma_start3A_294] : memref<100x256xi32, #tpu.memory_space<vmem>> -> memref<1x256xi32, #tpu.memory_space<vmem>>
      %dma_start3A_296 = tpu.memref_squeeze %dma_start3A_295 : memref<1x256xi32, #tpu.memory_space<vmem>> -> memref<256xi32, #tpu.memory_space<vmem>>
      %dma_start3A_297 = arith.constant 0 : i32
      %dma_start3A_298 = arith.constant 0 : i32
      %dma_start3A_299 = tpu.memref_slice %arg3[%dma_start3A_297, %dma_start3A_298] : memref<100000x64xf32, #tpu.memory_space<hbm>> -> memref<100000x64xf32, #tpu.memory_space<hbm>>
      tpu.enqueue_indirect_dma source(%dma_start3A_299 : memref<100000x64xf32, #tpu.memory_space<hbm>>) target(%dma_start3A_293 : memref<256x64xf32, #tpu.memory_space<vmem>>) offsets(%dma_start3A_296 : memref<256xi32, #tpu.memory_space<vmem>>) semaphore(%arg7 : memref<!tpu.dma_semaphore, #tpu.memory_space<semaphore_mem>>)
      %add3A_300 = arith.constant 1 : i32
      %add3A_301 = arith.addi %add3A_238, %add3A_300 : i32
      %dma_wait3A_302 = arith.constant 3 : i32
      %dma_wait3A_303 = arith.constant 0 : i32
      %dma_wait3A_304 = arith.constant 0 : i32
      %dma_wait3A_305 = tpu.memref_slice %arg6[%dma_wait3A_302, %dma_wait3A_303, %dma_wait3A_304] : memref<4x256x64xf32, #tpu.memory_space<vmem>> -> memref<1x256x64xf32, #tpu.memory_space<vmem>>
      %dma_wait3A_306 = tpu.memref_squeeze %dma_wait3A_305 : memref<1x256x64xf32, #tpu.memory_space<vmem>> -> memref<256x64xf32, #tpu.memory_space<vmem>>
      %dma_wait3A_307 = arith.constant 0 : i32
      %dma_wait3A_308 = arith.constant 0 : i32
      %dma_wait3A_309 = tpu.memref_slice %arg4[%dma_wait3A_307, %dma_wait3A_308] : memref<819200x64xf32, #tpu.memory_space<hbm>> -> memref<256x64xf32, #tpu.memory_space<hbm>>
      %dma_wait3A_310 = arith.constant 0 : i32
      %dma_wait3A_311 = arith.constant 0 : i32
      %dma_wait3A_312 = tpu.memref_slice %arg6[%dma_wait3A_302, %dma_wait3A_310, %dma_wait3A_311] : memref<4x256x64xf32, #tpu.memory_space<vmem>> -> memref<1x256x64xf32, #tpu.memory_space<vmem>>
      %dma_wait3A_313 = tpu.memref_squeeze %dma_wait3A_312 : memref<1x256x64xf32, #tpu.memory_space<vmem>> -> memref<256x64xf32, #tpu.memory_space<vmem>>
      %dma_wait3A_314 = arith.constant 0 : i32
      %dma_wait3A_315 = arith.constant 0 : i32
      %dma_wait3A_316 = tpu.memref_slice %arg4[%dma_wait3A_314, %dma_wait3A_315] : memref<819200x64xf32, #tpu.memory_space<hbm>> -> memref<256x64xf32, #tpu.memory_space<hbm>>
      tpu.wait_dma2 semaphore(%arg7 : memref<!tpu.dma_semaphore, #tpu.memory_space<semaphore_mem>>) src(%dma_wait3A_316 : memref<256x64xf32, #tpu.memory_space<hbm>>) dst(%dma_wait3A_313 : memref<256x64xf32, #tpu.memory_space<vmem>>)
      %mul3A_317 = arith.constant 256 : i32
      %mul3A_318 = arith.muli %add3A_301, %mul3A_317 : i32
      %add3A_319 = arith.addi %mul3A_2, %mul3A_318 : i32
      %dma_start3A_320 = arith.constant 3 : i32
      %dma_start3A_321 = arith.constant 0 : i32
      %dma_start3A_322 = arith.constant 0 : i32
      %dma_start3A_323 = tpu.memref_slice %arg6[%dma_start3A_320, %dma_start3A_321, %dma_start3A_322] : memref<4x256x64xf32, #tpu.memory_space<vmem>> -> memref<1x256x64xf32, #tpu.memory_space<vmem>>
      %dma_start3A_324 = tpu.memref_squeeze %dma_start3A_323 : memref<1x256x64xf32, #tpu.memory_space<vmem>> -> memref<256x64xf32, #tpu.memory_space<vmem>>
      %dma_start3A_325 = arith.constant 0 : i32
      %dma_start3A_326 = tpu.memref_slice %arg4[%add3A_319, %dma_start3A_325] : memref<819200x64xf32, #tpu.memory_space<hbm>> -> memref<256x64xf32, #tpu.memory_space<hbm>>
      %dma_start3A_327 = arith.constant 0 : i32
      %dma_start3A_328 = tpu.memref_slice %arg4[%add3A_319, %dma_start3A_327] : memref<819200x64xf32, #tpu.memory_space<hbm>> -> memref<256x64xf32, #tpu.memory_space<hbm>>
      %dma_start3A_329 = arith.constant 0 : i32
      %dma_start3A_330 = arith.constant 0 : i32
      %dma_start3A_331 = tpu.memref_slice %arg6[%dma_start3A_320, %dma_start3A_329, %dma_start3A_330] : memref<4x256x64xf32, #tpu.memory_space<vmem>> -> memref<1x256x64xf32, #tpu.memory_space<vmem>>
      %dma_start3A_332 = tpu.memref_squeeze %dma_start3A_331 : memref<1x256x64xf32, #tpu.memory_space<vmem>> -> memref<256x64xf32, #tpu.memory_space<vmem>>
      tpu.enqueue_dma source(%dma_start3A_332 : memref<256x64xf32, #tpu.memory_space<vmem>>) target(%dma_start3A_328 : memref<256x64xf32, #tpu.memory_space<hbm>>) target_semaphore(%arg8 : memref<!tpu.dma_semaphore, #tpu.memory_space<semaphore_mem>>)
      %dma_wait3A_333 = arith.constant 1 : i32
      %dma_wait3A_334 = arith.constant 0 : i32
      %dma_wait3A_335 = arith.constant 0 : i32
      %dma_wait3A_336 = tpu.memref_slice %arg6[%dma_wait3A_333, %dma_wait3A_334, %dma_wait3A_335] : memref<4x256x64xf32, #tpu.memory_space<vmem>> -> memref<1x256x64xf32, #tpu.memory_space<vmem>>
      %dma_wait3A_337 = tpu.memref_squeeze %dma_wait3A_336 : memref<1x256x64xf32, #tpu.memory_space<vmem>> -> memref<256x64xf32, #tpu.memory_space<vmem>>
      %dma_wait3A_338 = arith.constant 0 : i32
      %dma_wait3A_339 = arith.constant 0 : i32
      %dma_wait3A_340 = tpu.memref_slice %arg4[%dma_wait3A_338, %dma_wait3A_339] : memref<819200x64xf32, #tpu.memory_space<hbm>> -> memref<256x64xf32, #tpu.memory_space<hbm>>
      %dma_wait3A_341 = arith.constant 0 : i32
      %dma_wait3A_342 = arith.constant 0 : i32
      %dma_wait3A_343 = tpu.memref_slice %arg4[%dma_wait3A_341, %dma_wait3A_342] : memref<819200x64xf32, #tpu.memory_space<hbm>> -> memref<256x64xf32, #tpu.memory_space<hbm>>
      %dma_wait3A_344 = arith.constant 0 : i32
      %dma_wait3A_345 = arith.constant 0 : i32
      %dma_wait3A_346 = tpu.memref_slice %arg6[%dma_wait3A_333, %dma_wait3A_344, %dma_wait3A_345] : memref<4x256x64xf32, #tpu.memory_space<vmem>> -> memref<1x256x64xf32, #tpu.memory_space<vmem>>
      %dma_wait3A_347 = tpu.memref_squeeze %dma_wait3A_346 : memref<1x256x64xf32, #tpu.memory_space<vmem>> -> memref<256x64xf32, #tpu.memory_space<vmem>>
      tpu.wait_dma2 semaphore(%arg8 : memref<!tpu.dma_semaphore, #tpu.memory_space<semaphore_mem>>) src(%dma_wait3A_347 : memref<256x64xf32, #tpu.memory_space<vmem>>) dst(%dma_wait3A_343 : memref<256x64xf32, #tpu.memory_space<hbm>>)
      %add3A_348 = arith.constant 2 : i32
      %add3A_349 = arith.addi %add3A_301, %add3A_348 : i32
      %dma_start3A_350 = arith.constant 1 : i32
      %dma_start3A_351 = arith.constant 0 : i32
      %dma_start3A_352 = arith.constant 0 : i32
      %dma_start3A_353 = tpu.memref_slice %arg6[%dma_start3A_350, %dma_start3A_351, %dma_start3A_352] : memref<4x256x64xf32, #tpu.memory_space<vmem>> -> memref<1x256x64xf32, #tpu.memory_space<vmem>>
      %dma_start3A_354 = tpu.memref_squeeze %dma_start3A_353 : memref<1x256x64xf32, #tpu.memory_space<vmem>> -> memref<256x64xf32, #tpu.memory_space<vmem>>
      %dma_start3A_355 = arith.constant 0 : i32
      %dma_start3A_356 = tpu.memref_slice %arg5[%add3A_349, %dma_start3A_355] : memref<100x256xi32, #tpu.memory_space<vmem>> -> memref<1x256xi32, #tpu.memory_space<vmem>>
      %dma_start3A_357 = tpu.memref_squeeze %dma_start3A_356 : memref<1x256xi32, #tpu.memory_space<vmem>> -> memref<256xi32, #tpu.memory_space<vmem>>
      %dma_start3A_358 = arith.constant 0 : i32
      %dma_start3A_359 = arith.constant 0 : i32
      %dma_start3A_360 = tpu.memref_slice %arg3[%dma_start3A_358, %dma_start3A_359] : memref<100000x64xf32, #tpu.memory_space<hbm>> -> memref<100000x64xf32, #tpu.memory_space<hbm>>
      tpu.enqueue_indirect_dma source(%dma_start3A_360 : memref<100000x64xf32, #tpu.memory_space<hbm>>) target(%dma_start3A_354 : memref<256x64xf32, #tpu.memory_space<vmem>>) offsets(%dma_start3A_357 : memref<256xi32, #tpu.memory_space<vmem>>) semaphore(%arg7 : memref<!tpu.dma_semaphore, #tpu.memory_space<semaphore_mem>>)
      %add3A_361 = arith.constant 2 : i32
      %add3A_362 = arith.addi %add3A_238, %add3A_361 : i32
      %dma_wait3A_363 = arith.constant 0 : i32
      %dma_wait3A_364 = arith.constant 0 : i32
      %dma_wait3A_365 = arith.constant 0 : i32
      %dma_wait3A_366 = tpu.memref_slice %arg6[%dma_wait3A_363, %dma_wait3A_364, %dma_wait3A_365] : memref<4x256x64xf32, #tpu.memory_space<vmem>> -> memref<1x256x64xf32, #tpu.memory_space<vmem>>
      %dma_wait3A_367 = tpu.memref_squeeze %dma_wait3A_366 : memref<1x256x64xf32, #tpu.memory_space<vmem>> -> memref<256x64xf32, #tpu.memory_space<vmem>>
      %dma_wait3A_368 = arith.constant 0 : i32
      %dma_wait3A_369 = arith.constant 0 : i32
      %dma_wait3A_370 = tpu.memref_slice %arg4[%dma_wait3A_368, %dma_wait3A_369] : memref<819200x64xf32, #tpu.memory_space<hbm>> -> memref<256x64xf32, #tpu.memory_space<hbm>>
      %dma_wait3A_371 = arith.constant 0 : i32
      %dma_wait3A_372 = arith.constant 0 : i32
      %dma_wait3A_373 = tpu.memref_slice %arg6[%dma_wait3A_363, %dma_wait3A_371, %dma_wait3A_372] : memref<4x256x64xf32, #tpu.memory_space<vmem>> -> memref<1x256x64xf32, #tpu.memory_space<vmem>>
      %dma_wait3A_374 = tpu.memref_squeeze %dma_wait3A_373 : memref<1x256x64xf32, #tpu.memory_space<vmem>> -> memref<256x64xf32, #tpu.memory_space<vmem>>
      %dma_wait3A_375 = arith.constant 0 : i32
      %dma_wait3A_376 = arith.constant 0 : i32
      %dma_wait3A_377 = tpu.memref_slice %arg4[%dma_wait3A_375, %dma_wait3A_376] : memref<819200x64xf32, #tpu.memory_space<hbm>> -> memref<256x64xf32, #tpu.memory_space<hbm>>
      tpu.wait_dma2 semaphore(%arg7 : memref<!tpu.dma_semaphore, #tpu.memory_space<semaphore_mem>>) src(%dma_wait3A_377 : memref<256x64xf32, #tpu.memory_space<hbm>>) dst(%dma_wait3A_374 : memref<256x64xf32, #tpu.memory_space<vmem>>)
      %mul3A_378 = arith.constant 256 : i32
      %mul3A_379 = arith.muli %add3A_362, %mul3A_378 : i32
      %add3A_380 = arith.addi %mul3A_2, %mul3A_379 : i32
      %dma_start3A_381 = arith.constant 0 : i32
      %dma_start3A_382 = arith.constant 0 : i32
      %dma_start3A_383 = arith.constant 0 : i32
      %dma_start3A_384 = tpu.memref_slice %arg6[%dma_start3A_381, %dma_start3A_382, %dma_start3A_383] : memref<4x256x64xf32, #tpu.memory_space<vmem>> -> memref<1x256x64xf32, #tpu.memory_space<vmem>>
      %dma_start3A_385 = tpu.memref_squeeze %dma_start3A_384 : memref<1x256x64xf32, #tpu.memory_space<vmem>> -> memref<256x64xf32, #tpu.memory_space<vmem>>
      %dma_start3A_386 = arith.constant 0 : i32
      %dma_start3A_387 = tpu.memref_slice %arg4[%add3A_380, %dma_start3A_386] : memref<819200x64xf32, #tpu.memory_space<hbm>> -> memref<256x64xf32, #tpu.memory_space<hbm>>
      %dma_start3A_388 = arith.constant 0 : i32
      %dma_start3A_389 = tpu.memref_slice %arg4[%add3A_380, %dma_start3A_388] : memref<819200x64xf32, #tpu.memory_space<hbm>> -> memref<256x64xf32, #tpu.memory_space<hbm>>
      %dma_start3A_390 = arith.constant 0 : i32
      %dma_start3A_391 = arith.constant 0 : i32
      %dma_start3A_392 = tpu.memref_slice %arg6[%dma_start3A_381, %dma_start3A_390, %dma_start3A_391] : memref<4x256x64xf32, #tpu.memory_space<vmem>> -> memref<1x256x64xf32, #tpu.memory_space<vmem>>
      %dma_start3A_393 = tpu.memref_squeeze %dma_start3A_392 : memref<1x256x64xf32, #tpu.memory_space<vmem>> -> memref<256x64xf32, #tpu.memory_space<vmem>>
      tpu.enqueue_dma source(%dma_start3A_393 : memref<256x64xf32, #tpu.memory_space<vmem>>) target(%dma_start3A_389 : memref<256x64xf32, #tpu.memory_space<hbm>>) target_semaphore(%arg8 : memref<!tpu.dma_semaphore, #tpu.memory_space<semaphore_mem>>)
      %dma_wait3A_394 = arith.constant 2 : i32
      %dma_wait3A_395 = arith.constant 0 : i32
      %dma_wait3A_396 = arith.constant 0 : i32
      %dma_wait3A_397 = tpu.memref_slice %arg6[%dma_wait3A_394, %dma_wait3A_395, %dma_wait3A_396] : memref<4x256x64xf32, #tpu.memory_space<vmem>> -> memref<1x256x64xf32, #tpu.memory_space<vmem>>
      %dma_wait3A_398 = tpu.memref_squeeze %dma_wait3A_397 : memref<1x256x64xf32, #tpu.memory_space<vmem>> -> memref<256x64xf32, #tpu.memory_space<vmem>>
      %dma_wait3A_399 = arith.constant 0 : i32
      %dma_wait3A_400 = arith.constant 0 : i32
      %dma_wait3A_401 = tpu.memref_slice %arg4[%dma_wait3A_399, %dma_wait3A_400] : memref<819200x64xf32, #tpu.memory_space<hbm>> -> memref<256x64xf32, #tpu.memory_space<hbm>>
      %dma_wait3A_402 = arith.constant 0 : i32
      %dma_wait3A_403 = arith.constant 0 : i32
      %dma_wait3A_404 = tpu.memref_slice %arg4[%dma_wait3A_402, %dma_wait3A_403] : memref<819200x64xf32, #tpu.memory_space<hbm>> -> memref<256x64xf32, #tpu.memory_space<hbm>>
      %dma_wait3A_405 = arith.constant 0 : i32
      %dma_wait3A_406 = arith.constant 0 : i32
      %dma_wait3A_407 = tpu.memref_slice %arg6[%dma_wait3A_394, %dma_wait3A_405, %dma_wait3A_406] : memref<4x256x64xf32, #tpu.memory_space<vmem>> -> memref<1x256x64xf32, #tpu.memory_space<vmem>>
      %dma_wait3A_408 = tpu.memref_squeeze %dma_wait3A_407 : memref<1x256x64xf32, #tpu.memory_space<vmem>> -> memref<256x64xf32, #tpu.memory_space<vmem>>
      tpu.wait_dma2 semaphore(%arg8 : memref<!tpu.dma_semaphore, #tpu.memory_space<semaphore_mem>>) src(%dma_wait3A_408 : memref<256x64xf32, #tpu.memory_space<vmem>>) dst(%dma_wait3A_404 : memref<256x64xf32, #tpu.memory_space<hbm>>)
      %add3A_409 = arith.constant 2 : i32
      %add3A_410 = arith.addi %add3A_362, %add3A_409 : i32
      %dma_start3A_411 = arith.constant 2 : i32
      %dma_start3A_412 = arith.constant 0 : i32
      %dma_start3A_413 = arith.constant 0 : i32
      %dma_start3A_414 = tpu.memref_slice %arg6[%dma_start3A_411, %dma_start3A_412, %dma_start3A_413] : memref<4x256x64xf32, #tpu.memory_space<vmem>> -> memref<1x256x64xf32, #tpu.memory_space<vmem>>
      %dma_start3A_415 = tpu.memref_squeeze %dma_start3A_414 : memref<1x256x64xf32, #tpu.memory_space<vmem>> -> memref<256x64xf32, #tpu.memory_space<vmem>>
      %dma_start3A_416 = arith.constant 0 : i32
      %dma_start3A_417 = tpu.memref_slice %arg5[%add3A_410, %dma_start3A_416] : memref<100x256xi32, #tpu.memory_space<vmem>> -> memref<1x256xi32, #tpu.memory_space<vmem>>
      %dma_start3A_418 = tpu.memref_squeeze %dma_start3A_417 : memref<1x256xi32, #tpu.memory_space<vmem>> -> memref<256xi32, #tpu.memory_space<vmem>>
      %dma_start3A_419 = arith.constant 0 : i32
      %dma_start3A_420 = arith.constant 0 : i32
      %dma_start3A_421 = tpu.memref_slice %arg3[%dma_start3A_419, %dma_start3A_420] : memref<100000x64xf32, #tpu.memory_space<hbm>> -> memref<100000x64xf32, #tpu.memory_space<hbm>>
      tpu.enqueue_indirect_dma source(%dma_start3A_421 : memref<100000x64xf32, #tpu.memory_space<hbm>>) target(%dma_start3A_415 : memref<256x64xf32, #tpu.memory_space<vmem>>) offsets(%dma_start3A_418 : memref<256xi32, #tpu.memory_space<vmem>>) semaphore(%arg7 : memref<!tpu.dma_semaphore, #tpu.memory_space<semaphore_mem>>)
      %add3A_422 = arith.constant 3 : i32
      %add3A_423 = arith.addi %add3A_238, %add3A_422 : i32
      %dma_wait3A_424 = arith.constant 1 : i32
      %dma_wait3A_425 = arith.constant 0 : i32
      %dma_wait3A_426 = arith.constant 0 : i32
      %dma_wait3A_427 = tpu.memref_slice %arg6[%dma_wait3A_424, %dma_wait3A_425, %dma_wait3A_426] : memref<4x256x64xf32, #tpu.memory_space<vmem>> -> memref<1x256x64xf32, #tpu.memory_space<vmem>>
      %dma_wait3A_428 = tpu.memref_squeeze %dma_wait3A_427 : memref<1x256x64xf32, #tpu.memory_space<vmem>> -> memref<256x64xf32, #tpu.memory_space<vmem>>
      %dma_wait3A_429 = arith.constant 0 : i32
      %dma_wait3A_430 = arith.constant 0 : i32
      %dma_wait3A_431 = tpu.memref_slice %arg4[%dma_wait3A_429, %dma_wait3A_430] : memref<819200x64xf32, #tpu.memory_space<hbm>> -> memref<256x64xf32, #tpu.memory_space<hbm>>
      %dma_wait3A_432 = arith.constant 0 : i32
      %dma_wait3A_433 = arith.constant 0 : i32
      %dma_wait3A_434 = tpu.memref_slice %arg6[%dma_wait3A_424, %dma_wait3A_432, %dma_wait3A_433] : memref<4x256x64xf32, #tpu.memory_space<vmem>> -> memref<1x256x64xf32, #tpu.memory_space<vmem>>
      %dma_wait3A_435 = tpu.memref_squeeze %dma_wait3A_434 : memref<1x256x64xf32, #tpu.memory_space<vmem>> -> memref<256x64xf32, #tpu.memory_space<vmem>>
      %dma_wait3A_436 = arith.constant 0 : i32
      %dma_wait3A_437 = arith.constant 0 : i32
      %dma_wait3A_438 = tpu.memref_slice %arg4[%dma_wait3A_436, %dma_wait3A_437] : memref<819200x64xf32, #tpu.memory_space<hbm>> -> memref<256x64xf32, #tpu.memory_space<hbm>>
      tpu.wait_dma2 semaphore(%arg7 : memref<!tpu.dma_semaphore, #tpu.memory_space<semaphore_mem>>) src(%dma_wait3A_438 : memref<256x64xf32, #tpu.memory_space<hbm>>) dst(%dma_wait3A_435 : memref<256x64xf32, #tpu.memory_space<vmem>>)
      %mul3A_439 = arith.constant 256 : i32
      %mul3A_440 = arith.muli %add3A_423, %mul3A_439 : i32
      %add3A_441 = arith.addi %mul3A_2, %mul3A_440 : i32
      %dma_start3A_442 = arith.constant 1 : i32
      %dma_start3A_443 = arith.constant 0 : i32
      %dma_start3A_444 = arith.constant 0 : i32
      %dma_start3A_445 = tpu.memref_slice %arg6[%dma_start3A_442, %dma_start3A_443, %dma_start3A_444] : memref<4x256x64xf32, #tpu.memory_space<vmem>> -> memref<1x256x64xf32, #tpu.memory_space<vmem>>
      %dma_start3A_446 = tpu.memref_squeeze %dma_start3A_445 : memref<1x256x64xf32, #tpu.memory_space<vmem>> -> memref<256x64xf32, #tpu.memory_space<vmem>>
      %dma_start3A_447 = arith.constant 0 : i32
      %dma_start3A_448 = tpu.memref_slice %arg4[%add3A_441, %dma_start3A_447] : memref<819200x64xf32, #tpu.memory_space<hbm>> -> memref<256x64xf32, #tpu.memory_space<hbm>>
      %dma_start3A_449 = arith.constant 0 : i32
      %dma_start3A_450 = tpu.memref_slice %arg4[%add3A_441, %dma_start3A_449] : memref<819200x64xf32, #tpu.memory_space<hbm>> -> memref<256x64xf32, #tpu.memory_space<hbm>>
      %dma_start3A_451 = arith.constant 0 : i32
      %dma_start3A_452 = arith.constant 0 : i32
      %dma_start3A_453 = tpu.memref_slice %arg6[%dma_start3A_442, %dma_start3A_451, %dma_start3A_452] : memref<4x256x64xf32, #tpu.memory_space<vmem>> -> memref<1x256x64xf32, #tpu.memory_space<vmem>>
      %dma_start3A_454 = tpu.memref_squeeze %dma_start3A_453 : memref<1x256x64xf32, #tpu.memory_space<vmem>> -> memref<256x64xf32, #tpu.memory_space<vmem>>
      tpu.enqueue_dma source(%dma_start3A_454 : memref<256x64xf32, #tpu.memory_space<vmem>>) target(%dma_start3A_450 : memref<256x64xf32, #tpu.memory_space<hbm>>) target_semaphore(%arg8 : memref<!tpu.dma_semaphore, #tpu.memory_space<semaphore_mem>>)
      %dma_wait3A_455 = arith.constant 3 : i32
      %dma_wait3A_456 = arith.constant 0 : i32
      %dma_wait3A_457 = arith.constant 0 : i32
      %dma_wait3A_458 = tpu.memref_slice %arg6[%dma_wait3A_455, %dma_wait3A_456, %dma_wait3A_457] : memref<4x256x64xf32, #tpu.memory_space<vmem>> -> memref<1x256x64xf32, #tpu.memory_space<vmem>>
      %dma_wait3A_459 = tpu.memref_squeeze %dma_wait3A_458 : memref<1x256x64xf32, #tpu.memory_space<vmem>> -> memref<256x64xf32, #tpu.memory_space<vmem>>
      %dma_wait3A_460 = arith.constant 0 : i32
      %dma_wait3A_461 = arith.constant 0 : i32
      %dma_wait3A_462 = tpu.memref_slice %arg4[%dma_wait3A_460, %dma_wait3A_461] : memref<819200x64xf32, #tpu.memory_space<hbm>> -> memref<256x64xf32, #tpu.memory_space<hbm>>
      %dma_wait3A_463 = arith.constant 0 : i32
      %dma_wait3A_464 = arith.constant 0 : i32
      %dma_wait3A_465 = tpu.memref_slice %arg4[%dma_wait3A_463, %dma_wait3A_464] : memref<819200x64xf32, #tpu.memory_space<hbm>> -> memref<256x64xf32, #tpu.memory_space<hbm>>
      %dma_wait3A_466 = arith.constant 0 : i32
      %dma_wait3A_467 = arith.constant 0 : i32
      %dma_wait3A_468 = tpu.memref_slice %arg6[%dma_wait3A_455, %dma_wait3A_466, %dma_wait3A_467] : memref<4x256x64xf32, #tpu.memory_space<vmem>> -> memref<1x256x64xf32, #tpu.memory_space<vmem>>
      %dma_wait3A_469 = tpu.memref_squeeze %dma_wait3A_468 : memref<1x256x64xf32, #tpu.memory_space<vmem>> -> memref<256x64xf32, #tpu.memory_space<vmem>>
      tpu.wait_dma2 semaphore(%arg8 : memref<!tpu.dma_semaphore, #tpu.memory_space<semaphore_mem>>) src(%dma_wait3A_469 : memref<256x64xf32, #tpu.memory_space<vmem>>) dst(%dma_wait3A_465 : memref<256x64xf32, #tpu.memory_space<hbm>>)
      %add3A_470 = arith.constant 2 : i32
      %add3A_471 = arith.addi %add3A_423, %add3A_470 : i32
      %dma_start3A_472 = arith.constant 3 : i32
      %dma_start3A_473 = arith.constant 0 : i32
      %dma_start3A_474 = arith.constant 0 : i32
      %dma_start3A_475 = tpu.memref_slice %arg6[%dma_start3A_472, %dma_start3A_473, %dma_start3A_474] : memref<4x256x64xf32, #tpu.memory_space<vmem>> -> memref<1x256x64xf32, #tpu.memory_space<vmem>>
      %dma_start3A_476 = tpu.memref_squeeze %dma_start3A_475 : memref<1x256x64xf32, #tpu.memory_space<vmem>> -> memref<256x64xf32, #tpu.memory_space<vmem>>
      %dma_start3A_477 = arith.constant 0 : i32
      %dma_start3A_478 = tpu.memref_slice %arg5[%add3A_471, %dma_start3A_477] : memref<100x256xi32, #tpu.memory_space<vmem>> -> memref<1x256xi32, #tpu.memory_space<vmem>>
      %dma_start3A_479 = tpu.memref_squeeze %dma_start3A_478 : memref<1x256xi32, #tpu.memory_space<vmem>> -> memref<256xi32, #tpu.memory_space<vmem>>
      %dma_start3A_480 = arith.constant 0 : i32
      %dma_start3A_481 = arith.constant 0 : i32
      %dma_start3A_482 = tpu.memref_slice %arg3[%dma_start3A_480, %dma_start3A_481] : memref<100000x64xf32, #tpu.memory_space<hbm>> -> memref<100000x64xf32, #tpu.memory_space<hbm>>
      tpu.enqueue_indirect_dma source(%dma_start3A_482 : memref<100000x64xf32, #tpu.memory_space<hbm>>) target(%dma_start3A_476 : memref<256x64xf32, #tpu.memory_space<vmem>>) offsets(%dma_start3A_479 : memref<256xi32, #tpu.memory_space<vmem>>) semaphore(%arg7 : memref<!tpu.dma_semaphore, #tpu.memory_space<semaphore_mem>>)
    }
    %scan3A_113 = arith.constant 24 : i32
    %dma_wait3A_114 = arith.constant 2 : i32
    %dma_wait3A_115 = arith.constant 0 : i32
    %dma_wait3A_116 = arith.constant 0 : i32
    %dma_wait3A_117 = tpu.memref_slice %arg6[%dma_wait3A_114, %dma_wait3A_115, %dma_wait3A_116] : memref<4x256x64xf32, #tpu.memory_space<vmem>> -> memref<1x256x64xf32, #tpu.memory_space<vmem>>
    %dma_wait3A_118 = tpu.memref_squeeze %dma_wait3A_117 : memref<1x256x64xf32, #tpu.memory_space<vmem>> -> memref<256x64xf32, #tpu.memory_space<vmem>>
    %dma_wait3A_119 = arith.constant 0 : i32
    %dma_wait3A_120 = arith.constant 0 : i32
    %dma_wait3A_121 = tpu.memref_slice %arg4[%dma_wait3A_119, %dma_wait3A_120] : memref<819200x64xf32, #tpu.memory_space<hbm>> -> memref<256x64xf32, #tpu.memory_space<hbm>>
    %dma_wait3A_122 = arith.constant 0 : i32
    %dma_wait3A_123 = arith.constant 0 : i32
    %dma_wait3A_124 = tpu.memref_slice %arg6[%dma_wait3A_114, %dma_wait3A_122, %dma_wait3A_123] : memref<4x256x64xf32, #tpu.memory_space<vmem>> -> memref<1x256x64xf32, #tpu.memory_space<vmem>>
    %dma_wait3A_125 = tpu.memref_squeeze %dma_wait3A_124 : memref<1x256x64xf32, #tpu.memory_space<vmem>> -> memref<256x64xf32, #tpu.memory_space<vmem>>
    %dma_wait3A_126 = arith.constant 0 : i32
    %dma_wait3A_127 = arith.constant 0 : i32
    %dma_wait3A_128 = tpu.memref_slice %arg4[%dma_wait3A_126, %dma_wait3A_127] : memref<819200x64xf32, #tpu.memory_space<hbm>> -> memref<256x64xf32, #tpu.memory_space<hbm>>
    tpu.wait_dma2 semaphore(%arg7 : memref<!tpu.dma_semaphore, #tpu.memory_space<semaphore_mem>>) src(%dma_wait3A_128 : memref<256x64xf32, #tpu.memory_space<hbm>>) dst(%dma_wait3A_125 : memref<256x64xf32, #tpu.memory_space<vmem>>)
    %add3A_129 = arith.constant 25088 : i32
    %add3A_130 = arith.addi %mul3A_2, %add3A_129 : i32
    %dma_start3A_131 = arith.constant 2 : i32
    %dma_start3A_132 = arith.constant 0 : i32
    %dma_start3A_133 = arith.constant 0 : i32
    %dma_start3A_134 = tpu.memref_slice %arg6[%dma_start3A_131, %dma_start3A_132, %dma_start3A_133] : memref<4x256x64xf32, #tpu.memory_space<vmem>> -> memref<1x256x64xf32, #tpu.memory_space<vmem>>
    %dma_start3A_135 = tpu.memref_squeeze %dma_start3A_134 : memref<1x256x64xf32, #tpu.memory_space<vmem>> -> memref<256x64xf32, #tpu.memory_space<vmem>>
    %dma_start3A_136 = arith.constant 0 : i32
    %dma_start3A_137 = tpu.memref_slice %arg4[%add3A_130, %dma_start3A_136] : memref<819200x64xf32, #tpu.memory_space<hbm>> -> memref<256x64xf32, #tpu.memory_space<hbm>>
    %dma_start3A_138 = arith.constant 0 : i32
    %dma_start3A_139 = tpu.memref_slice %arg4[%add3A_130, %dma_start3A_138] : memref<819200x64xf32, #tpu.memory_space<hbm>> -> memref<256x64xf32, #tpu.memory_space<hbm>>
    %dma_start3A_140 = arith.constant 0 : i32
    %dma_start3A_141 = arith.constant 0 : i32
    %dma_start3A_142 = tpu.memref_slice %arg6[%dma_start3A_131, %dma_start3A_140, %dma_start3A_141] : memref<4x256x64xf32, #tpu.memory_space<vmem>> -> memref<1x256x64xf32, #tpu.memory_space<vmem>>
    %dma_start3A_143 = tpu.memref_squeeze %dma_start3A_142 : memref<1x256x64xf32, #tpu.memory_space<vmem>> -> memref<256x64xf32, #tpu.memory_space<vmem>>
    tpu.enqueue_dma source(%dma_start3A_143 : memref<256x64xf32, #tpu.memory_space<vmem>>) target(%dma_start3A_139 : memref<256x64xf32, #tpu.memory_space<hbm>>) target_semaphore(%arg8 : memref<!tpu.dma_semaphore, #tpu.memory_space<semaphore_mem>>)
    %dma_wait3A_144 = arith.constant 0 : i32
    %dma_wait3A_145 = arith.constant 0 : i32
    %dma_wait3A_146 = arith.constant 0 : i32
    %dma_wait3A_147 = tpu.memref_slice %arg6[%dma_wait3A_144, %dma_wait3A_145, %dma_wait3A_146] : memref<4x256x64xf32, #tpu.memory_space<vmem>> -> memref<1x256x64xf32, #tpu.memory_space<vmem>>
    %dma_wait3A_148 = tpu.memref_squeeze %dma_wait3A_147 : memref<1x256x64xf32, #tpu.memory_space<vmem>> -> memref<256x64xf32, #tpu.memory_space<vmem>>
    %dma_wait3A_149 = arith.constant 0 : i32
    %dma_wait3A_150 = arith.constant 0 : i32
    %dma_wait3A_151 = tpu.memref_slice %arg4[%dma_wait3A_149, %dma_wait3A_150] : memref<819200x64xf32, #tpu.memory_space<hbm>> -> memref<256x64xf32, #tpu.memory_space<hbm>>
    %dma_wait3A_152 = arith.constant 0 : i32
    %dma_wait3A_153 = arith.constant 0 : i32
    %dma_wait3A_154 = tpu.memref_slice %arg4[%dma_wait3A_152, %dma_wait3A_153] : memref<819200x64xf32, #tpu.memory_space<hbm>> -> memref<256x64xf32, #tpu.memory_space<hbm>>
    %dma_wait3A_155 = arith.constant 0 : i32
    %dma_wait3A_156 = arith.constant 0 : i32
    %dma_wait3A_157 = tpu.memref_slice %arg6[%dma_wait3A_144, %dma_wait3A_155, %dma_wait3A_156] : memref<4x256x64xf32, #tpu.memory_space<vmem>> -> memref<1x256x64xf32, #tpu.memory_space<vmem>>
    %dma_wait3A_158 = tpu.memref_squeeze %dma_wait3A_157 : memref<1x256x64xf32, #tpu.memory_space<vmem>> -> memref<256x64xf32, #tpu.memory_space<vmem>>
    tpu.wait_dma2 semaphore(%arg8 : memref<!tpu.dma_semaphore, #tpu.memory_space<semaphore_mem>>) src(%dma_wait3A_158 : memref<256x64xf32, #tpu.memory_space<vmem>>) dst(%dma_wait3A_154 : memref<256x64xf32, #tpu.memory_space<hbm>>)
    %dma_wait3A_159 = arith.constant 3 : i32
    %dma_wait3A_160 = arith.constant 0 : i32
    %dma_wait3A_161 = arith.constant 0 : i32
    %dma_wait3A_162 = tpu.memref_slice %arg6[%dma_wait3A_159, %dma_wait3A_160, %dma_wait3A_161] : memref<4x256x64xf32, #tpu.memory_space<vmem>> -> memref<1x256x64xf32, #tpu.memory_space<vmem>>
    %dma_wait3A_163 = tpu.memref_squeeze %dma_wait3A_162 : memref<1x256x64xf32, #tpu.memory_space<vmem>> -> memref<256x64xf32, #tpu.memory_space<vmem>>
    %dma_wait3A_164 = arith.constant 0 : i32
    %dma_wait3A_165 = arith.constant 0 : i32
    %dma_wait3A_166 = tpu.memref_slice %arg4[%dma_wait3A_164, %dma_wait3A_165] : memref<819200x64xf32, #tpu.memory_space<hbm>> -> memref<256x64xf32, #tpu.memory_space<hbm>>
    %dma_wait3A_167 = arith.constant 0 : i32
    %dma_wait3A_168 = arith.constant 0 : i32
    %dma_wait3A_169 = tpu.memref_slice %arg6[%dma_wait3A_159, %dma_wait3A_167, %dma_wait3A_168] : memref<4x256x64xf32, #tpu.memory_space<vmem>> -> memref<1x256x64xf32, #tpu.memory_space<vmem>>
    %dma_wait3A_170 = tpu.memref_squeeze %dma_wait3A_169 : memref<1x256x64xf32, #tpu.memory_space<vmem>> -> memref<256x64xf32, #tpu.memory_space<vmem>>
    %dma_wait3A_171 = arith.constant 0 : i32
    %dma_wait3A_172 = arith.constant 0 : i32
    %dma_wait3A_173 = tpu.memref_slice %arg4[%dma_wait3A_171, %dma_wait3A_172] : memref<819200x64xf32, #tpu.memory_space<hbm>> -> memref<256x64xf32, #tpu.memory_space<hbm>>
    tpu.wait_dma2 semaphore(%arg7 : memref<!tpu.dma_semaphore, #tpu.memory_space<semaphore_mem>>) src(%dma_wait3A_173 : memref<256x64xf32, #tpu.memory_space<hbm>>) dst(%dma_wait3A_170 : memref<256x64xf32, #tpu.memory_space<vmem>>)
    %add3A_174 = arith.constant 25344 : i32
    %add3A_175 = arith.addi %mul3A_2, %add3A_174 : i32
    %dma_start3A_176 = arith.constant 3 : i32
    %dma_start3A_177 = arith.constant 0 : i32
    %dma_start3A_178 = arith.constant 0 : i32
    %dma_start3A_179 = tpu.memref_slice %arg6[%dma_start3A_176, %dma_start3A_177, %dma_start3A_178] : memref<4x256x64xf32, #tpu.memory_space<vmem>> -> memref<1x256x64xf32, #tpu.memory_space<vmem>>
    %dma_start3A_180 = tpu.memref_squeeze %dma_start3A_179 : memref<1x256x64xf32, #tpu.memory_space<vmem>> -> memref<256x64xf32, #tpu.memory_space<vmem>>
    %dma_start3A_181 = arith.constant 0 : i32
    %dma_start3A_182 = tpu.memref_slice %arg4[%add3A_175, %dma_start3A_181] : memref<819200x64xf32, #tpu.memory_space<hbm>> -> memref<256x64xf32, #tpu.memory_space<hbm>>
    %dma_start3A_183 = arith.constant 0 : i32
    %dma_start3A_184 = tpu.memref_slice %arg4[%add3A_175, %dma_start3A_183] : memref<819200x64xf32, #tpu.memory_space<hbm>> -> memref<256x64xf32, #tpu.memory_space<hbm>>
    %dma_start3A_185 = arith.constant 0 : i32
    %dma_start3A_186 = arith.constant 0 : i32
    %dma_start3A_187 = tpu.memref_slice %arg6[%dma_start3A_176, %dma_start3A_185, %dma_start3A_186] : memref<4x256x64xf32, #tpu.memory_space<vmem>> -> memref<1x256x64xf32, #tpu.memory_space<vmem>>
    %dma_start3A_188 = tpu.memref_squeeze %dma_start3A_187 : memref<1x256x64xf32, #tpu.memory_space<vmem>> -> memref<256x64xf32, #tpu.memory_space<vmem>>
    tpu.enqueue_dma source(%dma_start3A_188 : memref<256x64xf32, #tpu.memory_space<vmem>>) target(%dma_start3A_184 : memref<256x64xf32, #tpu.memory_space<hbm>>) target_semaphore(%arg8 : memref<!tpu.dma_semaphore, #tpu.memory_space<semaphore_mem>>)
    %dma_wait3A_189 = arith.constant 1 : i32
    %dma_wait3A_190 = arith.constant 0 : i32
    %dma_wait3A_191 = arith.constant 0 : i32
    %dma_wait3A_192 = tpu.memref_slice %arg6[%dma_wait3A_189, %dma_wait3A_190, %dma_wait3A_191] : memref<4x256x64xf32, #tpu.memory_space<vmem>> -> memref<1x256x64xf32, #tpu.memory_space<vmem>>
    %dma_wait3A_193 = tpu.memref_squeeze %dma_wait3A_192 : memref<1x256x64xf32, #tpu.memory_space<vmem>> -> memref<256x64xf32, #tpu.memory_space<vmem>>
    %dma_wait3A_194 = arith.constant 0 : i32
    %dma_wait3A_195 = arith.constant 0 : i32
    %dma_wait3A_196 = tpu.memref_slice %arg4[%dma_wait3A_194, %dma_wait3A_195] : memref<819200x64xf32, #tpu.memory_space<hbm>> -> memref<256x64xf32, #tpu.memory_space<hbm>>
    %dma_wait3A_197 = arith.constant 0 : i32
    %dma_wait3A_198 = arith.constant 0 : i32
    %dma_wait3A_199 = tpu.memref_slice %arg4[%dma_wait3A_197, %dma_wait3A_198] : memref<819200x64xf32, #tpu.memory_space<hbm>> -> memref<256x64xf32, #tpu.memory_space<hbm>>
    %dma_wait3A_200 = arith.constant 0 : i32
    %dma_wait3A_201 = arith.constant 0 : i32
    %dma_wait3A_202 = tpu.memref_slice %arg6[%dma_wait3A_189, %dma_wait3A_200, %dma_wait3A_201] : memref<4x256x64xf32, #tpu.memory_space<vmem>> -> memref<1x256x64xf32, #tpu.memory_space<vmem>>
    %dma_wait3A_203 = tpu.memref_squeeze %dma_wait3A_202 : memref<1x256x64xf32, #tpu.memory_space<vmem>> -> memref<256x64xf32, #tpu.memory_space<vmem>>
    tpu.wait_dma2 semaphore(%arg8 : memref<!tpu.dma_semaphore, #tpu.memory_space<semaphore_mem>>) src(%dma_wait3A_203 : memref<256x64xf32, #tpu.memory_space<vmem>>) dst(%dma_wait3A_199 : memref<256x64xf32, #tpu.memory_space<hbm>>)
    %dma_wait3A_204 = arith.constant 2 : i32
    %dma_wait3A_205 = arith.constant 0 : i32
    %dma_wait3A_206 = arith.constant 0 : i32
    %dma_wait3A_207 = tpu.memref_slice %arg6[%dma_wait3A_204, %dma_wait3A_205, %dma_wait3A_206] : memref<4x256x64xf32, #tpu.memory_space<vmem>> -> memref<1x256x64xf32, #tpu.memory_space<vmem>>
    %dma_wait3A_208 = tpu.memref_squeeze %dma_wait3A_207 : memref<1x256x64xf32, #tpu.memory_space<vmem>> -> memref<256x64xf32, #tpu.memory_space<vmem>>
    %dma_wait3A_209 = arith.constant 0 : i32
    %dma_wait3A_210 = arith.constant 0 : i32
    %dma_wait3A_211 = tpu.memref_slice %arg4[%dma_wait3A_209, %dma_wait3A_210] : memref<819200x64xf32, #tpu.memory_space<hbm>> -> memref<256x64xf32, #tpu.memory_space<hbm>>
    %dma_wait3A_212 = arith.constant 0 : i32
    %dma_wait3A_213 = arith.constant 0 : i32
    %dma_wait3A_214 = tpu.memref_slice %arg4[%dma_wait3A_212, %dma_wait3A_213] : memref<819200x64xf32, #tpu.memory_space<hbm>> -> memref<256x64xf32, #tpu.memory_space<hbm>>
    %dma_wait3A_215 = arith.constant 0 : i32
    %dma_wait3A_216 = arith.constant 0 : i32
    %dma_wait3A_217 = tpu.memref_slice %arg6[%dma_wait3A_204, %dma_wait3A_215, %dma_wait3A_216] : memref<4x256x64xf32, #tpu.memory_space<vmem>> -> memref<1x256x64xf32, #tpu.memory_space<vmem>>
    %dma_wait3A_218 = tpu.memref_squeeze %dma_wait3A_217 : memref<1x256x64xf32, #tpu.memory_space<vmem>> -> memref<256x64xf32, #tpu.memory_space<vmem>>
    tpu.wait_dma2 semaphore(%arg8 : memref<!tpu.dma_semaphore, #tpu.memory_space<semaphore_mem>>) src(%dma_wait3A_218 : memref<256x64xf32, #tpu.memory_space<vmem>>) dst(%dma_wait3A_214 : memref<256x64xf32, #tpu.memory_space<hbm>>)
    %dma_wait3A_219 = arith.constant 3 : i32
    %dma_wait3A_220 = arith.constant 0 : i32
    %dma_wait3A_221 = arith.constant 0 : i32
    %dma_wait3A_222 = tpu.memref_slice %arg6[%dma_wait3A_219, %dma_wait3A_220, %dma_wait3A_221] : memref<4x256x64xf32, #tpu.memory_space<vmem>> -> memref<1x256x64xf32, #tpu.memory_space<vmem>>
    %dma_wait3A_223 = tpu.memref_squeeze %dma_wait3A_222 : memref<1x256x64xf32, #tpu.memory_space<vmem>> -> memref<256x64xf32, #tpu.memory_space<vmem>>
    %dma_wait3A_224 = arith.constant 0 : i32
    %dma_wait3A_225 = arith.constant 0 : i32
    %dma_wait3A_226 = tpu.memref_slice %arg4[%dma_wait3A_224, %dma_wait3A_225] : memref<819200x64xf32, #tpu.memory_space<hbm>> -> memref<256x64xf32, #tpu.memory_space<hbm>>
    %dma_wait3A_227 = arith.constant 0 : i32
    %dma_wait3A_228 = arith.constant 0 : i32
    %dma_wait3A_229 = tpu.memref_slice %arg4[%dma_wait3A_227, %dma_wait3A_228] : memref<819200x64xf32, #tpu.memory_space<hbm>> -> memref<256x64xf32, #tpu.memory_space<hbm>>
    %dma_wait3A_230 = arith.constant 0 : i32
    %dma_wait3A_231 = arith.constant 0 : i32
    %dma_wait3A_232 = tpu.memref_slice %arg6[%dma_wait3A_219, %dma_wait3A_230, %dma_wait3A_231] : memref<4x256x64xf32, #tpu.memory_space<vmem>> -> memref<1x256x64xf32, #tpu.memory_space<vmem>>
    %dma_wait3A_233 = tpu.memref_squeeze %dma_wait3A_232 : memref<1x256x64xf32, #tpu.memory_space<vmem>> -> memref<256x64xf32, #tpu.memory_space<vmem>>
    tpu.wait_dma2 semaphore(%arg8 : memref<!tpu.dma_semaphore, #tpu.memory_space<semaphore_mem>>) src(%dma_wait3A_233 : memref<256x64xf32, #tpu.memory_space<vmem>>) dst(%dma_wait3A_229 : memref<256x64xf32, #tpu.memory_space<hbm>>)
    return
  }
}

</mosaic_0001>

<sc_bundles>
// kernel: kernel.3.cloned.1.call-start
scs
__scs_entry_jumppad:
0x0: {  	(pc) =	sbr.rel $0x88, $3  }
0x1: {  	(tag) =	ssettag $0x0;
	lr =	simm.s32 $0x1  }
0x2: {  	[smem:$0x3F9F] =	sst lr;
	_ =	strace $0xD0000000  }
0x3: {  	_ = 	snop  }
0x4: {  	_ = 	snop  }
0x5: {  	_ = 	snop  }
0x6: {  	_ = 	snop  }
0x7: {  	_ = 	snop  }
__scs_overlays_trampoline_lowered:
0x8: {  	[smem:$0x3FAE] =	sst s0  }
0x9: {  	[smem:$0x3FAF] =	sst s1  }
0xa: {  	[smem:$0x3FB0] =	sst s2  }
0xb: {  	[smem:$0x3FB1] =	sst s3  }
0xc: {  	[smem:$0x3FB2] =	sst s4  }
0xd: {  	[smem:$0x3FB3] =	sst s5  }
0xe: {  	[smem:$0x3FB4] =	sst s6  }
0xf: {  	[smem:$0x3FB5] =	sst s7  }
0x10: {  	[smem:$0x3FB6] =	sst s8  }
0x11: {  	[smem:$0x3FB7] =	sst s9;
	s0 =	simm.s32 @!p0 $0x0  }
0x12: {  	s1 =	sld [smem:$0x3F9D];
	s0 =	simm.s32 @p0 $0x1  }
0x13: {  	[smem:$0x3FB8] =	sst s0;
	s0 =	simm.s32 @!p1 $0x0  }
0x14: {  	s2 =	sld [smem:$0x3F9C];
	s0 =	simm.s32 @p1 $0x1  }
0x15: {  	[smem:$0x3FB9] =	sst s0;
	s0 =	simm.s32 @!p2 $0x0  }
0x16: {  	s3 =	sld [smem:$0x3FDB];
	s0 =	simm.s32 @p2 $0x1  }
0x17: {  	s4 =	simm.s32 $0x1BF5;
	[smem:$0x3FBB] =	sst s0  }
0x18: {  	s0 =	sld [smem:$0x3F9E];
	_ =	swait.ge [sflag:s4], $0x0  }
0x19: {  	s7 =	sld [smem:$0x3F9F]  }
0x1a: {  	s8 =	sadd.s32 $0xFFFFE003, lr  }
0x1b: {  	s9 =	sadd.s32 $0xFFFFFEF7, lr;
	s5 =	simm.s32 $0xFFFFFFFF;
	p2 =	slt.u32 s8, $0xFFFFF086  }
0x1c: {  	p1 =	slt.u32 s9, $0xF7A;
	s5 =	simm.s32 @!p2 $0x0  }
0x1d: {  	s5 =	simm.s32 @p1 $0x1;
	p0 =	seq.s32 s7, s2  }
0x1e: {  	s7 =	smul.u32 @!p0 $0xF7A, s2;
	p2 =	seq.s32 @!p0 s5, $0x0  }
0x1f: {  	s9 =	smul.u32 $0xF7A, s1;
	s8 =	simm.s32 @!p0 $0x1BF5;
	p2 =	por !p2, p0  }
0x20: {  	[sflag:s8] =	ssyncset.s32 @!p0 $0xFFFFF086;
	s6 =	sadd.s32 @!p0 s3, s7;
	s7 =	simm.s32 @!p0 $0x108  }
0x21: {  	s3 =	sadd.s32 s3, s9;
	s6 =	sadd.s32 @!p0 $0x88, s6;
	s7 =	simm.s32 @p2 $0x1082  }
0x22: {  	[simem:s7], [sflag:s8] =	dma.local @!p0 [hbm:s6], $0xF7A  }
0x23: {  	s9 =	sor.u32 $0xD0000000, s2;
	s6 =	simm.s32 $0x108;
	_ =	swait.ge @!p0 [sflag:s8], $0x0  }
0x24: {  	s3 =	sadd.s32 $0x88, s3;
	s6 =	simm.s32 @!p1 $0x1082;
	[sflag:s4] =	ssyncset.s32 $0xFFFFF086  }
0x25: {  	[simem:s6], [sflag:s4] =	dma.local [hbm:s3], $0xF7A  }
0x26: {  	[smem:$0x3F9F] =	sst s1;
	(tag) =	ssettag s2;
	_ =	strace s9  }
0x27: {  	s1 =	sld [smem:$0x3FAF]  }
0x28: {  	s2 =	sld [smem:$0x3FB0]  }
0x29: {  	s4 =	sld [smem:$0x3FB2]  }
0x2a: {  	p0 =	seq.s32 s5, $0x0;
	s5 =	sld [smem:$0x3FB3]  }
0x2b: {  	s6 =	sld [smem:$0x3FB4]  }
0x2c: {  	s7 =	sld [smem:$0x3FB5]  }
0x2d: {  	s3 =	simm.s32 $0x108;
	s8 =	sld [smem:$0x3FB6]  }
0x2e: {  	s3 =	simm.s32 @!p0 $0x1082;
	s9 =	sld [smem:$0x3FB7]  }
0x2f: {  	lr =	sadd.s32 s0, s3;
	s0 =	sld [smem:$0x3FAE]  }
0x30: {  	s3 =	sld [smem:$0x3FB1]  }
0x31: {  	[smem:$0x3FBA] =	sst s10  }
0x32: {  	s10 =	sld [smem:$0x3FB8];
	_ =	sdelay $0x3  }
0x33: {  	p0 =	seq.s32 s10, $0x1;
	s10 =	sld [smem:$0x3FBA];
	_ =	sdelay $0x3  }
0x34: {  	[smem:$0x3FBA] =	sst s10  }
0x35: {  	s10 =	sld [smem:$0x3FB9];
	_ =	sdelay $0x3  }
0x36: {  	p1 =	seq.s32 s10, $0x1;
	s10 =	sld [smem:$0x3FBA];
	_ =	sdelay $0x3  }
0x37: {  	[smem:$0x3FBA] =	sst s10  }
0x38: {  	s10 =	sld [smem:$0x3FBB]  }
0x39: {  	_ = 	snop;
	(pc) =	sbr.ind lr, $3  }
0x3a: {  	_ = 	snop  }
0x3b: {  	_ = 	snop  }
0x3c: {  	p2 =	seq.s32 s10, $0x1;
	s10 =	sld [smem:$0x3FBA]  }
0x3d: {  	_ =	shalt  }
0x3e: {  	_ =	shalt  }
0x3f: {  	_ =	shalt  }
0x40: {  	_ =	shalt  }
0x41: {  	_ =	shalt  }
0x42: {  	_ =	shalt  }
0x43: {  	_ =	shalt  }
0x44: {  	_ =	shalt  }
0x45: {  	_ =	shalt  }
0x46: {  	_ =	shalt  }
0x47: {  	_ =	shalt  }
0x48: {  	_ =	shalt  }
0x49: {  	_ =	shalt  }
0x4a: {  	_ =	shalt  }
0x4b: {  	_ =	shalt  }
0x4c: {  	_ =	shalt  }
0x4d: {  	_ =	shalt  }
0x4e: {  	_ =	shalt  }
0x4f: {  	_ =	shalt  }
0x50: {  	_ =	shalt  }
0x51: {  	_ =	shalt  }
0x52: {  	_ =	shalt  }
0x53: {  	_ =	shalt  }
0x54: {  	_ =	shalt  }
0x55: {  	_ =	shalt  }
0x56: {  	_ =	shalt  }
0x57: {  	_ =	shalt  }
0x58: {  	_ =	shalt  }
0x59: {  	_ =	shalt  }
0x5a: {  	_ =	shalt  }
0x5b: {  	_ =	shalt  }
0x5c: {  	_ =	shalt  }
0x5d: {  	_ =	shalt  }
0x5e: {  	_ =	shalt  }
0x5f: {  	_ =	shalt  }
0x60: {  	_ =	shalt  }
0x61: {  	_ =	shalt  }
0x62: {  	_ =	shalt  }
0x63: {  	_ =	shalt  }
0x64: {  	_ =	shalt  }
0x65: {  	_ =	shalt  }
0x66: {  	_ =	shalt  }
0x67: {  	_ =	shalt  }
0x68: {  	_ =	shalt  }
0x69: {  	_ =	shalt  }
0x6a: {  	_ =	shalt  }
0x6b: {  	_ =	shalt  }
0x6c: {  	_ =	shalt  }
0x6d: {  	_ =	shalt  }
0x6e: {  	_ =	shalt  }
0x6f: {  	_ =	shalt  }
0x70: {  	_ =	shalt  }
0x71: {  	_ =	shalt  }
0x72: {  	_ =	shalt  }
0x73: {  	_ =	shalt  }
0x74: {  	_ =	shalt  }
0x75: {  	_ =	shalt  }
0x76: {  	_ =	shalt  }
0x77: {  	_ =	shalt  }
0x78: {  	_ =	shalt  }
0x79: {  	_ =	shalt  }
0x7a: {  	_ =	shalt  }
0x7b: {  	_ =	shalt  }
0x7c: {  	_ =	shalt  }
0x7d: {  	_ =	shalt  }
0x7e: {  	_ =	shalt  }
0x7f: {  	_ =	shalt  }
0x80: {  	_ =	shalt  }
0x81: {  	_ =	shalt  }
0x82: {  	_ =	shalt  }
0x83: {  	_ =	shalt  }
0x84: {  	_ =	shalt  }
0x85: {  	_ =	shalt  }
0x86: {  	_ =	shalt  }
0x87: {  	_ =	shalt  }
.Lfunc_end0:
.L_simem_size_0:
called_computation.1_lowered:
.L_overlay_start_0:
0x88: {  	s2 =	sld [smem:$0x3FD9]  }
0x89: {  	s3 =	sld [smem:$0x3FFE];
	_ =	sdelay $0x1  }
0x8a: {  	s1 =	srdreg.scid  }
0x8b: {  	s0 =	sand.u32 $0x1, s1  }
0x8c: {  	s17 =	sshll.u32 s0, $0xA;
	s2 =	sadd.s32 s3, s2  }
0x8d: {  	s2 =	sadd.s32 s2, s17  }
0x8e: {  	[smem:$0x3FC6] =	sst s2  }
0x8f: {  	_ = 	snop  }
0x90: {  	s2 =	sld [smem:$0x3FD0];
	(tm) =	ssettm $0x1  }
0x91: {  	s18 =	sld [smem:$0x3FFB];
	_ =	sdelay $0x3  }
0x92: {  	_ =	strace s18  }
0x93: {  	s3 =	sld [smem:$0x3FFC];
	_ =	sdelay $0x3  }
0x94: {  	_ =	strace s3  }
0x95: {  	s3 =	sld [smem:$0x3FFD];
	_ =	sdelay $0x3  }
0x96: {  	_ =	strace s3  }
0x97: {  	_ =	strace $0x8FFFFFFF  }
0x98: {  	s19 =	sld [smem:$0x3FDB];
	_ =	sdelay $0x1  }
0x99: {  	s4 =	simm.s32 $_scs_section_size  }
0x9a: {  	s5 =	simm.s32 $_size__tile_overlayer_lowered;
	s6 =	simm.s32 $_tile_overlayer_lowered  }
0x9b: {  	s22 =	simm.s32 $0x1BFF;
	s21 =	sshll.u32 s6, $0x1;
	s3 =	sadd.s32 s4, s19  }
0x9c: {  	s7 =	simm.s32 $0x0;
	s20 =	sshll.u32 s5, $0x1;
	s5 =	sadd.s32 s21, s3  }
0x9d: {  	[timem:s7], [sflag:s22] =	dma.local [hbm:s5], s20  }
0x9e: {  	_ =	swait.ge [sflag:s22], s20  }
0x9f: {  	s4 =	ssub.s32 $0x0, s20;
	[sflag:s22] =	ssyncset.done $0x0  }
0xa0: {  	[sflag:s22] =	ssyncadd.s32 s4;
	_ =	sdelay $0x1  }
0xa1: {  	s23 =	simm.s32 $0x1B8B  }
0xa2: {  	_ =	swait.ge [sflag:s23], $0x1  }
0xa3: {  	[sflag:s23] =	ssyncset.done $0x0  }
0xa4: {  	s25 =	simm.s32 $0x1B8E;
	s24 =	sld [smem:$0x3FFE];
	[sflag:s23] =	ssyncadd.s32 $0xFFFFFFFF  }
0xa5: {  	s26 =	simm.s32 $execute0_lowered;
	[smem:$0x3FD2] =	sst s25  }
0xa6: {  	s5 =	sshll.u32 s26, $0x1;
	_ =	strace $0x80000046;
	[dreg:$0x1] =	wrdreg $0xFFFFFFFF  }
0xa7: {  	s28 =	simm.s32 $_size_execute0_lowered;
	s3 =	sadd.s32 s3, s5;
	[dreg:$0x0] =	wrdreg $0x0  }
0xa8: {  	s5 =	sshll.u32 s28, $0x1;
	[dreg:$0x2] =	wrdreg s3  }
0xa9: {  	[dreg:$0x3] =	wrdreg s5  }
0xaa: {  	[dreg:$0x4] =	wrdreg $0xC0  }
0xab: {  	_ =	task [dreg:s7], $0x5FFFF  }
0xac: {  	[dreg:$0x1] =	wrdreg $0xFFFFFFFF  }
0xad: {  	[dreg:$0x0] =	wrdreg $0x60  }
0xae: {  	[dreg:$0x2] =	wrdreg s24  }
0xaf: {  	[dreg:$0x3] =	wrdreg s2  }
0xb0: {  	[dreg:$0x4] =	wrdreg $0x9  }
0xb1: {  	_ =	task.clear_ibuf [dreg:s7], $0x5FFFF;
	_ =	strace $0x90000046  }
0xb2: {  	s29 =	simm.s32 $0x9;
	_ =	strace $0x80000048  }
0xb3: {  	_ =	swait.ge [sflag:s29], $0x1  }
0xb4: {  	[sflag:s29] =	ssyncadd.s32 $0xFFFFFFFF  }
0xb5: {  	_ =	strace $0x90000048  }
0xb6: {  	_ =	sfence  }
0xb7: {  	s30 =	sld [smem:$0x0];
	_ =	sdelay $0x2  }
0xb8: {  	s31 =	sshll.u32 s1, $0xD;
	s1 =	sshrl.u32 s1, $0x2  }
0xb9: {  	s3 =	sand.u32 $0x4000, s31;
	s1 =	sadd.s32 s1, s30  }
0xba: {  	s0 =	sor.u32 s3, s0;
	s1 =	sshll.u32 s1, $0x11  }
0xbb: {  	s0 =	sor.u32 s1, s0  }
0xbc: {  	s0 =	sadd.s32 $0x8F2B, s0  }
0xbd: {  	[sflag:s0] =	ssyncadd.remote.s32 $0x1  }
0xbe: {  	_ =	sfence.sel $0xFFFF  }
0xbf: {  	[dreg:$0x0] =	wrdreg $0xFFFFFFFF;
	(pc) =	sbr.abs _section_cstart, $3  }
0xc0: {  	[dreg:$0x1] =	wrdreg $0xFFFFFFFF  }
0xc1: {  	_ =	task.clear_ibuf [dreg:s7], $0x2FFFF;
	_ =	strace $0x9FFFFFFF  }
0xc2: {  	(tm) =	ssettm $0x7FFFFFFF  }
0xc3: {  	_ =	shalt  }
tec
execute0_lowered:
.L_overlay_start_1:
0x0: {  	(tag) =	ssettag $0x1  }
0x1: {  	s1 =	srdreg.scid;
	s3 =	rddreg [dreg:$0x0]  }
0x2: {  	s0 =	stileid.u32;
	s10 =	rddreg [dreg:$0x1];
	s2 =	simm.s32 $0x0  }
0x3: {  	s14 =	simm.s32 $0x3;
	s15 =	simm.s32 $0x100;
	s16 =	simm.s32 $0x6400  }
0x4: {  	s17 =	simm.s32 $0xA400;
	s18 =	simm.s32 $0x1;
	s19 =	simm.s32 $0x200  }
0x5: {  	s4 =	sand.u32 $0x1, s1;
	s29 =	sshll.u32 s0, $0x1;
	s9 =	smul.u32 $0xC800, s0  }
0x6: {  	s20 =	simm.s32 $0xE400;
	s5 =	sor.u32 s4, s29;
	s12 =	smul.u32 $0x6400, s4  }
0x7: {  	s21 =	simm.s32 $0x300;
	s22 =	simm.s32 $0x12400;
	s6 =	smul.u32 $0x6400, s5  }
0x8: {  	s23 =	simm.s32 $0x2;
	s8 =	ssub.s32 $0x2, s4;
	s7 =	smul.u32 $0x32000, s5  }
0x9: {  	[smem:$0x7FF] =	sst s2;
	s5 =	smul.u32 $0x190000, s5;
	s11 =	sshrl.u32 s8, $0x1  }
0xa: {  	s24 =	simm.s32 $0x0;
	_ =	strace $0x80000047;
	s11 =	ssub.s32 s8, s11  }
0xb: {  	s9 =	sadd.s32 s12, s9;
	s6 =	sshrl.u32 s6, $0x3;
	s30 =	sshrl.u32 s5, $0x3  }
0xc: {  	s5 =	sadd.s32 s10, s7;
	s12 =	sshll.u32 s9, $0x3;
	s9 =	smax.u32 s11, $0x1  }
0xd: {  	s6 =	sadd.s32 s6, s3;
	s3 =	sadd.s32 $0x19800, s3;
	s31 =	sadd.s32 s10, s30  }
0xe: {  	s13 =	sadd.s32 s10, s12;
	s4 =	sadd.s32 $0x800, s6;
	s6 =	sadd.s32 $0x800, s5  }
0xf: {  	s7 =	sadd.s32 $0x31000, s31;
	s8 =	sadd.s32 $0x31800, s31;
	s10 =	sadd.s32 $0x1800, s13  }
0x10: {  	s11 =	sadd.s32 $0x1000, s13;
	s12 =	sadd.s32 $0x2800, s13;
	s13 =	sadd.s32 $0x2000, s13  }
.LBB2_1:
0x11: {  	[tilespmem:s2], [sflag:$0x3] =	stream.linear.gather [hbm4b:s4+s2], $0x6400, $0x38;
	[tilespmem:$0x16400] =	vst v63  }
0x12: {  	_ =	swait.ge [sflag:s14], $0x6400  }
0x13: {  	[sflag:s14] =	ssyncset.done $0x0  }
0x14: {  	[sflag:s14] =	ssyncadd.s32 $0xFFFF9C00  }
0x15: {  	[tilespmem:s16], [sflag:$0x1] =	stream.indirect.gather [hbm4b:s3+s15], $0x40, s2, s15, $0xb8;
	[tilespmem:$0x16400] =	vst v63  }
0x16: {  	_ = 	snop  }
0x17: {  	[tilespmem:s17], [sflag:$0x1] =	stream.indirect.gather [hbm4b:s3+s15], $0x40, s15, s15, $0xb8;
	[tilespmem:$0x16400] =	vst v63  }
0x18: {  	_ =	swait.ge [sflag:s18], $0x4000  }
0x19: {  	[sflag:s18] =	ssyncset.done $0x0  }
0x1a: {  	[sflag:s18] =	ssyncadd.s32 $0xFFFFC000  }
0x1b: {  	[hbm4b:s5+s2] =	stream.linear.scatter [tilespmem:s16], [sflag:$0x2], $0x4000, $0x38;
	[tilespmem:$0x16400] =	vst v63  }
0x1c: {  	_ = 	snop  }
0x1d: {  	[tilespmem:s20], [sflag:$0x1] =	stream.indirect.gather [hbm4b:s3+s15], $0x40, s19, s15, $0xb8;
	[tilespmem:$0x16400] =	vst v63  }
0x1e: {  	_ =	swait.ge [sflag:s18], $0x4000  }
0x1f: {  	[sflag:s18] =	ssyncset.done $0x0  }
0x20: {  	[sflag:s18] =	ssyncadd.s32 $0xFFFFC000  }
0x21: {  	[hbm4b:s6+s2] =	stream.linear.scatter [tilespmem:s17], [sflag:$0x2], $0x4000, $0x38;
	[tilespmem:$0x16400] =	vst v63  }
0x22: {  	_ = 	snop  }
0x23: {  	[tilespmem:s22], [sflag:$0x1] =	stream.indirect.gather [hbm4b:s3+s15], $0x40, s21, s15, $0xb8;
	[tilespmem:$0x16400] =	vst v63  }
0x24: {  	_ =	swait.ge [sflag:s18], $0x4000  }
0x25: {  	[sflag:s18] =	ssyncset.done $0x0  }
0x26: {  	[sflag:s18] =	ssyncadd.s32 $0xFFFFC000  }
0x27: {  	[hbm4b:s11+s2] =	stream.linear.scatter [tilespmem:s20], [sflag:$0x2], $0x4000, $0x38;
	[tilespmem:$0x16400] =	vst v63  }
0x28: {  	_ =	swait.ge [sflag:s23], $0x4000  }
0x29: {  	[sflag:s23] =	ssyncset.done $0x0  }
0x2a: {  	s25 =	simm.s32 $0x400;
	[sflag:s23] =	ssyncadd.s32 $0xFFFFC000  }
0x2b: {  	[tilespmem:s16], [sflag:$0x1] =	stream.indirect.gather [hbm4b:s3+s15], $0x40, s25, s15, $0xb8;
	[tilespmem:$0x16400] =	vst v63  }
0x2c: {  	_ =	swait.ge [sflag:s18], $0x4000  }
0x2d: {  	[sflag:s18] =	ssyncset.done $0x0  }
0x2e: {  	[sflag:s18] =	ssyncadd.s32 $0xFFFFC000  }
0x2f: {  	[hbm4b:s10+s2] =	stream.linear.scatter [tilespmem:s22], [sflag:$0x2], $0x4000, $0x38;
	[tilespmem:$0x16400] =	vst v63  }
0x30: {  	_ =	swait.ge [sflag:s23], $0x4000  }
0x31: {  	[sflag:s23] =	ssyncset.done $0x0  }
0x32: {  	s1 =	simm.s32 $0x500;
	[sflag:s23] =	ssyncadd.s32 $0xFFFFC000  }
0x33: {  	[tilespmem:s17], [sflag:$0x1] =	stream.indirect.gather [hbm4b:s3+s15], $0x40, s1, s15, $0xb8;
	[tilespmem:$0x16400] =	vst v63  }
0x34: {  	_ =	swait.ge [sflag:s18], $0x4000  }
0x35: {  	[sflag:s18] =	ssyncset.done $0x0  }
0x36: {  	[sflag:s18] =	ssyncadd.s32 $0xFFFFC000  }
0x37: {  	[hbm4b:s13+s2] =	stream.linear.scatter [tilespmem:s16], [sflag:$0x2], $0x4000, $0x38;
	[tilespmem:$0x16400] =	vst v63  }
0x38: {  	_ =	swait.ge [sflag:s23], $0x4000  }
0x39: {  	[sflag:s23] =	ssyncset.done $0x0  }
0x3a: {  	s26 =	simm.s32 $0x600;
	[sflag:s23] =	ssyncadd.s32 $0xFFFFC000  }
0x3b: {  	[tilespmem:s20], [sflag:$0x1] =	stream.indirect.gather [hbm4b:s3+s15], $0x40, s26, s15, $0xb8;
	[tilespmem:$0x16400] =	vst v63  }
0x3c: {  	_ =	swait.ge [sflag:s18], $0x4000  }
0x3d: {  	[sflag:s18] =	ssyncset.done $0x0  }
0x3e: {  	[sflag:s18] =	ssyncadd.s32 $0xFFFFC000  }
0x3f: {  	[hbm4b:s12+s2] =	stream.linear.scatter [tilespmem:s17], [sflag:$0x2], $0x4000, $0x38;
	[tilespmem:$0x16400] =	vst v63  }
0x40: {  	s28 =	sadd.s32 $0x2000, s11;
	s29 =	sadd.s32 $0x2000, s12;
	_ =	swait.ge [sflag:s23], $0x4000  }
0x41: {  	s31 =	simm.s32 $0x700;
	s30 =	sadd.s32 $0x2000, s10;
	[sflag:s23] =	ssyncset.done $0x0  }
0x42: {  	s25 =	simm.s32 $0x1000;
	s26 =	sadd.s32 $0x2000, s13;
	[sflag:s23] =	ssyncadd.s32 $0xFFFFC000  }
.LBB2_2:
0x43: {  	[tilespmem:s22], [sflag:$0x1] =	stream.indirect.gather [hbm4b:s3+s15], $0x40, s31, s15, $0xb8;
	[tilespmem:$0x16400] =	vst v63  }
0x44: {  	s31 =	smov.u32 s25  }
0x45: {  	p0 =	sne.s32 s25, $0x17000;
	s25 =	sadd.s32 $0x1000, s25;
	_ =	swait.ge [sflag:s18], $0x4000  }
0x46: {  	[sflag:s18] =	ssyncset.done $0x0  }
0x47: {  	[sflag:s18] =	ssyncadd.s32 $0xFFFFC000  }
0x48: {  	[hbm4b:s28+s2] =	stream.linear.scatter [tilespmem:s20], [sflag:$0x2], $0x4000, $0x38;
	[tilespmem:$0x16400] =	vst v63  }
0x49: {  	_ =	swait.ge [sflag:s23], $0x4000  }
0x4a: {  	s31 =	sshra.s32 s31, $0x2;
	[sflag:s23] =	ssyncset.done $0x0  }
0x4b: {  	s1 =	sadd.s32 $0x400, s31;
	[sflag:s23] =	ssyncadd.s32 $0xFFFFC000  }
0x4c: {  	[tilespmem:s16], [sflag:$0x1] =	stream.indirect.gather [hbm4b:s3+s15], $0x40, s1, s15, $0xb8;
	[tilespmem:$0x16400] =	vst v63  }
0x4d: {  	_ =	swait.ge [sflag:s18], $0x4000  }
0x4e: {  	[sflag:s18] =	ssyncset.done $0x0  }
0x4f: {  	[sflag:s18] =	ssyncadd.s32 $0xFFFFC000  }
0x50: {  	[hbm4b:s30+s2] =	stream.linear.scatter [tilespmem:s22], [sflag:$0x2], $0x4000, $0x38;
	[tilespmem:$0x16400] =	vst v63  }
0x51: {  	_ =	swait.ge [sflag:s23], $0x4000  }
0x52: {  	[sflag:s23] =	ssyncset.done $0x0  }
0x53: {  	s1 =	sadd.s32 $0x500, s31;
	[sflag:s23] =	ssyncadd.s32 $0xFFFFC000  }
0x54: {  	[tilespmem:s17], [sflag:$0x1] =	stream.indirect.gather [hbm4b:s3+s15], $0x40, s1, s15, $0xb8;
	[tilespmem:$0x16400] =	vst v63  }
0x55: {  	_ =	swait.ge [sflag:s18], $0x4000  }
0x56: {  	[sflag:s18] =	ssyncset.done $0x0  }
0x57: {  	[sflag:s18] =	ssyncadd.s32 $0xFFFFC000  }
0x58: {  	[hbm4b:s26+s2] =	stream.linear.scatter [tilespmem:s16], [sflag:$0x2], $0x4000, $0x38;
	[tilespmem:$0x16400] =	vst v63  }
0x59: {  	_ =	swait.ge [sflag:s23], $0x4000  }
0x5a: {  	[sflag:s23] =	ssyncset.done $0x0  }
0x5b: {  	s1 =	sadd.s32 $0x600, s31;
	[sflag:s23] =	ssyncadd.s32 $0xFFFFC000  }
0x5c: {  	[tilespmem:s20], [sflag:$0x1] =	stream.indirect.gather [hbm4b:s3+s15], $0x40, s1, s15, $0xb8;
	[tilespmem:$0x16400] =	vst v63  }
0x5d: {  	_ =	swait.ge [sflag:s18], $0x4000  }
0x5e: {  	[sflag:s18] =	ssyncset.done $0x0  }
.Ltmp0:
0x5f: {  	[sflag:s18] =	ssyncadd.s32 $0xFFFFC000;
	(pc) =	sbr.rel @p0 .LBB2_2-.Ltmp0, $4  }
0x60: {  	[hbm4b:s29+s2] =	stream.linear.scatter [tilespmem:s17], [sflag:$0x2], $0x4000, $0x38;
	[tilespmem:$0x16400] =	vst v63  }
0x61: {  	s26 =	sadd.s32 $0x2000, s26;
	_ =	swait.ge [sflag:s23], $0x4000  }
0x62: {  	s28 =	sadd.s32 $0x2000, s28;
	s29 =	sadd.s32 $0x2000, s29;
	[sflag:s23] =	ssyncset.done $0x0  }
0x63: {  	s30 =	sadd.s32 $0x2000, s30;
	s31 =	sadd.s32 $0x700, s31;
	[sflag:s23] =	ssyncadd.s32 $0xFFFFC000  }
0x64: {  	[tilespmem:s22], [sflag:$0x1] =	stream.indirect.gather [hbm4b:s3+s15], $0x40, s31, s15, $0xb8;
	[tilespmem:$0x16400] =	vst v63  }
0x65: {  	_ =	swait.ge [sflag:s18], $0x4000  }
0x66: {  	[sflag:s18] =	ssyncset.done $0x0  }
0x67: {  	[sflag:s18] =	ssyncadd.s32 $0xFFFFC000  }
0x68: {  	[hbm4b:s7+s2] =	stream.linear.scatter [tilespmem:s20], [sflag:$0x2], $0x4000, $0x38;
	[tilespmem:$0x16400] =	vst v63  }
0x69: {  	_ =	swait.ge [sflag:s23], $0x4000  }
0x6a: {  	[sflag:s23] =	ssyncset.done $0x0  }
0x6b: {  	[sflag:s23] =	ssyncadd.s32 $0xFFFFC000  }
0x6c: {  	_ =	swait.ge [sflag:s18], $0x4000  }
0x6d: {  	[sflag:s18] =	ssyncset.done $0x0  }
0x6e: {  	[sflag:s18] =	ssyncadd.s32 $0xFFFFC000  }
0x6f: {  	[hbm4b:s8+s2] =	stream.linear.scatter [tilespmem:s22], [sflag:$0x2], $0x4000, $0x38;
	[tilespmem:$0x16400] =	vst v63  }
0x70: {  	_ =	swait.ge [sflag:s23], $0x4000  }
0x71: {  	[sflag:s23] =	ssyncset.done $0x0  }
0x72: {  	s24 =	sadd.s32 $0x1, s24;
	[sflag:s23] =	ssyncadd.s32 $0xFFFFC000  }
0x73: {  	p0 =	sne.s32 s24, s9;
	_ =	swait.ge [sflag:s23], $0x4000  }
.Ltmp1:
0x74: {  	[sflag:s23] =	ssyncset.done $0x0;
	(pc) =	sbr.rel @p0 .LBB2_1-.Ltmp1, $4  }
0x75: {  	[sflag:s23] =	ssyncadd.s32 $0xFFFFC000  }
0x76: {  	_ =	swait.ge [sflag:s23], $0x4000  }
0x77: {  	[sflag:s23] =	ssyncset.done $0x0  }
0x78: {  	[sflag:s23] =	ssyncadd.s32 $0xFFFFC000  }
0x79: {  	_ =	sfence.sel $0x180000  }
0x7a: {  	[bflag:$0x0] =	sbarrier.arrive $0xFFFF  }
0x7b: {  	_ =	strace $0x90000047  }
0x7c: {  	[bflag:$0x2] =	sbarrier.arrive $0xFFFF  }
0x7d: {  	p0 =	sne.s32 s0, $0x0;
	s0 =	rddreg [dreg:$0x2]  }
0x7e: {  	s0 =	sadd.s32 @!p0 $0x100000, s0  }
0x7f: {  	[sflag:s0] =	ssyncadd.tile.s32 @!p0 $0x1;
	_ =	shalt  }
.Lfunc_end2:
_tile_overlayer_lowered:
.L_overlay_start_2:
0x80: {  	(tag) =	ssettag $0x2  }
0x81: {  	s0 =	rddreg [dreg:$0x0];
	s2 =	stileid.u32  }
0x82: {  	s1 =	rddreg [dreg:$0x1];
	p0 =	sne.s32 s2, $0x0  }
0x83: {  	s3 =	rddreg [dreg:$0x2];
	[bflag:$0x3] =	sbarrier.arrive $0xFFFF;
	s2 =	simm.s32 @!p0 $0x1C03  }
0x84: {  	[timem:s3], [sflag:s2] =	dma.local @!p0 [hbm:s0], s1  }
0x85: {  	s0 =	simm.s32 @!p0 $0x3  }
0x86: {  	_ =	swait.ge @!p0 [sflag:s0], s1  }
0x87: {  	s1 =	ssub.s32 @!p0 $0x0, s1;
	[sflag:s0] =	ssyncset.done @!p0 $0x0  }
0x88: {  	[sflag:s0] =	ssyncadd.s32 @!p0 s1  }
0x89: {  	[bflag:$0x3] =	sbarrier.arrive $0xFFFF  }
0x8a: {  	_ =	shalt  }

// kernel: sparse-core-data-format-call.cloned.1.call-start
scs
called_computation_lowered:
.L_overlay_start_0:
0x0: {  	s2 =	sld [smem:$0x3FD9]  }
0x1: {  	s3 =	sld [smem:$0x3FFE];
	_ =	sdelay $0x1  }
0x2: {  	s1 =	srdreg.scid  }
0x3: {  	s0 =	sand.u32 $0x1, s1  }
0x4: {  	s18 =	sshll.u32 s0, $0xA;
	s2 =	sadd.s32 s3, s2  }
0x5: {  	s2 =	sadd.s32 s2, s18  }
0x6: {  	[smem:$0x3FC6] =	sst s2  }
0x7: {  	_ = 	snop  }
0x8: {  	s2 =	sld [smem:$0x3FD0];
	(tm) =	ssettm $0x1  }
0x9: {  	s19 =	sld [smem:$0x3FFB];
	_ =	sdelay $0x3  }
0xa: {  	_ =	strace s19  }
0xb: {  	s3 =	sld [smem:$0x3FFC];
	_ =	sdelay $0x3  }
0xc: {  	_ =	strace s3  }
0xd: {  	s3 =	sld [smem:$0x3FFD];
	_ =	sdelay $0x3  }
0xe: {  	_ =	strace s3  }
0xf: {  	_ =	strace $0x8FFFFFFF  }
0x10: {  	s20 =	sld [smem:$0x3FDB];
	_ =	sdelay $0x1  }
0x11: {  	s4 =	simm.s32 $_scs_section_size  }
0x12: {  	s5 =	simm.s32 $_size__tile_overlayer_lowered;
	s6 =	simm.s32 $_tile_overlayer_lowered  }
0x13: {  	s23 =	simm.s32 $0x1BFF;
	s22 =	sshll.u32 s6, $0x1;
	s3 =	sadd.s32 s4, s20  }
0x14: {  	s7 =	simm.s32 $0x0;
	s21 =	sshll.u32 s5, $0x1;
	s5 =	sadd.s32 s22, s3  }
0x15: {  	[timem:s7], [sflag:s23] =	dma.local [hbm:s5], s21  }
0x16: {  	_ =	swait.ge [sflag:s23], s21  }
0x17: {  	s4 =	ssub.s32 $0x0, s21;
	[sflag:s23] =	ssyncset.done $0x0  }
0x18: {  	[sflag:s23] =	ssyncadd.s32 s4;
	_ =	sdelay $0x1  }
0x19: {  	s24 =	simm.s32 $0x1B8B  }
0x1a: {  	_ =	swait.ge [sflag:s24], $0x1  }
0x1b: {  	[sflag:s24] =	ssyncset.done $0x0  }
0x1c: {  	s26 =	simm.s32 $0x1B8E;
	s25 =	sld [smem:$0x3FFE];
	[sflag:s24] =	ssyncadd.s32 $0xFFFFFFFF  }
0x1d: {  	s27 =	simm.s32 $execute0_lowered;
	[smem:$0x3FD2] =	sst s26  }
0x1e: {  	s5 =	sshll.u32 s27, $0x1;
	_ =	strace $0x80000049;
	[dreg:$0x1] =	wrdreg $0xFFFFFFFF  }
0x1f: {  	s28 =	simm.s32 $_size_execute0_lowered;
	s3 =	sadd.s32 s3, s5;
	[dreg:$0x0] =	wrdreg $0x0  }
0x20: {  	s5 =	sshll.u32 s28, $0x1;
	[dreg:$0x2] =	wrdreg s3  }
0x21: {  	[dreg:$0x3] =	wrdreg s5  }
0x22: {  	[dreg:$0x4] =	wrdreg $0xC0  }
0x23: {  	_ =	task [dreg:s7], $0x5FFFF  }
0x24: {  	[dreg:$0x1] =	wrdreg $0xFFFFFFFF  }
0x25: {  	[dreg:$0x0] =	wrdreg $0x60  }
0x26: {  	[dreg:$0x2] =	wrdreg s25  }
0x27: {  	[dreg:$0x3] =	wrdreg s2  }
0x28: {  	[dreg:$0x4] =	wrdreg $0x9  }
0x29: {  	_ =	task.clear_ibuf [dreg:s7], $0x5FFFF;
	_ =	strace $0x90000049  }
0x2a: {  	s29 =	simm.s32 $0x9;
	_ =	strace $0x8000004B  }
0x2b: {  	_ =	swait.ge [sflag:s29], $0x1  }
0x2c: {  	[sflag:s29] =	ssyncadd.s32 $0xFFFFFFFF  }
0x2d: {  	_ =	strace $0x9000004B  }
0x2e: {  	_ =	sfence  }
0x2f: {  	s30 =	sld [smem:$0x0];
	_ =	sdelay $0x2  }
0x30: {  	s31 =	sshll.u32 s1, $0xD;
	s1 =	sshrl.u32 s1, $0x2  }
0x31: {  	s3 =	sand.u32 $0x4000, s31;
	s1 =	sadd.s32 s1, s30  }
0x32: {  	s0 =	sor.u32 s3, s0;
	s1 =	sshll.u32 s1, $0x11  }
0x33: {  	s0 =	sor.u32 s1, s0  }
0x34: {  	s0 =	sadd.s32 $0x8F2B, s0  }
0x35: {  	[sflag:s0] =	ssyncadd.remote.s32 $0x1  }
0x36: {  	_ =	sfence.sel $0xFFFF  }
0x37: {  	[dreg:$0x0] =	wrdreg $0xFFFFFFFF;
	(pc) =	sbr.abs _section_cstart, $3  }
0x38: {  	[dreg:$0x1] =	wrdreg $0xFFFFFFFF  }
0x39: {  	_ =	task.clear_ibuf [dreg:s7], $0x2FFFF;
	_ =	strace $0x9FFFFFFF  }
0x3a: {  	(tm) =	ssettm $0x7FFFFFFF  }
0x3b: {  	_ =	shalt  }
tec
execute0_lowered:
.L_overlay_start_1:
0x0: {  	(tag) =	ssettag $0x1  }
0x1: {  	s0 =	srdreg.scid  }
0x2: {  	s1 =	sshll.u32 s0, $0x4  }
0x3: {  	s0 =	stileid.u32;
	s1 =	sand.u32 $0x10, s1  }
0x4: {  	s1 =	sor.u32 s0, s1  }
0x5: {  	s6 =	rddreg [dreg:$0x0];
	s4 =	simm.s32 $0x1;
	s2 =	sshll.u32 s1, $0x7  }
0x6: {  	s7 =	simm.s32 $0x2;
	s12 =	simm.s32 $0x0;
	s1 =	ssub.s32 $0x1000, s2  }
0x7: {  	s8 =	simm.s32 $0x8000;
	s13 =	simm.s32 $0x0;
	s3 =	sand.u32 $0xF80, s1  }
0x8: {  	s9 =	simm.s32 $0x0;
	s5 =	sshrl.u32 s1, $0xC;
	p0 =	sne.s32 s3, $0x0  }
.Ltmp0:
0x9: {  	s1 =	rddreg [dreg:$0x2];
	s4 =	simm.s32 @!p0 $0x0;
	(pc) =	sbr.rel .LBB1_1-.Ltmp0, $4  }
0xa: {  	s11 =	simm.s32 $0x0;
	s3 =	rddreg [dreg:$0x1];
	s5 =	sadd.s32 s4, s5  }
0xb: {  	_ =	strace $0x8000004A;
	s4 =	simm.s32 $0x1;
	s5 =	smul.u32 $0xC8, s5  }
0xc: {  	s6 =	sadd.s32 $0x800, s6;
	s10 =	smov.u32 s2;
	[sflag:s4] =	ssyncpa.u1 $0x0  }
0xd: {  	p0 =	por $0x0, $0x0;
	[sflag:s7] =	ssyncpa.u1 $0x0;
	s7 =	sor.u32 $0x1, s5  }
.LBB1_4:
0xe: {  	s16 =	sshll.u32 s13, $0x3;
	s17 =	sand.u32 $0x78, s13  }
0xf: {  	s30 =	sand.u32 $0x7E00, s13;
	s12 =	sshll.u32 s12, $0xF;
	s16 =	sand.u32 $0xC00, s16  }
0x10: {  	[tilespmem:s15+$0x810 ss:$0x81] =	vst.msk $0xffff, v2;
	s31 =	sand.u32 $0x7, s13;
	s16 =	sor.u32 s17, s16;
	s17 =	sadd.s32 s3, s30  }
0x11: {  	[tilespmem:s15+$0x1020 ss:$0x81] =	vst.msk $0xffff, v0;
	s13 =	sshll.u32 s31, $0x12;
	s12 =	sadd.s32 s12, s17;
	s16 =	sshrl.u32 s16, $0x3  }
0x12: {  	[tilespmem:s15+$0x0 ss:$0x81] =	vst.msk $0xffff, v1;
	s13 =	sor.u32 $0x400, s13;
	s12 =	sadd.s32 s16, s12  }
0x13: {  	[hbm4b:s12+s13] =	stream.strided.scatter [tilespmem:s14], [sflag:$0x2], $0x2000, s8, s13, $0x20;
	[tilespmem:$0x8080] =	vst v63  }
.LBB1_5:
0x14: {  	s14 =	sadd.s32 $0x1, s9  }
0x15: {  	s12 =	sadd.s32 $0x1000, s10;
	s16 =	smov.u32 s10;
	p2 =	sgt.s32 s14, $0xC7  }
0x16: {  	s16 =	smov.u32 @p2 s12  }
0x17: {  	s14 =	simm.s32 @p2 $0x0;
	p2 =	sgt.s32 s16, $0xFFF  }
0x18: {  	s16 =	smov.u32 @p2 s2;
	p2 =	sne.s32 s11, s7  }
.Ltmp1:
0x19: {  	p1 =	slt.u32 s11, $0x2;
	(pc) =	sbr.rel @!p2 .LBB1_6-.Ltmp1, $4  }
0x1a: {  	s15 =	simm.s32 @!p1 $0x2  }
0x1b: {  	s13 =	smov.u32 s10;
	p0 =	por !p0, !p0;
	_ =	swait.ge @!p1 [sflag:s15], $0x2000  }
0x1c: {  	s12 =	smov.u32 s9;
	[sflag:s15] =	ssyncset.done @!p1 $0x0;
	s9 =	smov.u32 s14  }
0x1d: {  	s11 =	sadd.s32 $0x1, s11;
	[sflag:s15] =	ssyncadd.s32 @!p1 $0xFFFFE000;
	s10 =	smov.u32 s16  }
.LBB1_1:
0x1e: {  	p1 =	sge.u32 s11, s5  }
0x1f: {  	s14 =	sand.u32 @!p1 $0x1FFFFFF, s9  }
0x20: {  	s15 =	smulhi.u32 @!p1 $0x147AE15, s14;
	_ =	sdelay $0x1  }
0x21: {  	s15 =	smul.u32 @!p1 $0xC8, s15  }
0x22: {  	s16 =	sxor.u32 @!p1 $0xFFFFFFFF, s11;
	s17 =	smul.u32 @!p1 $0xC80, s10  }
0x23: {  	s31 =	sadd.s32 $0xFFFFFFFF, s11;
	s16 =	sshll.u32 @!p1 s16, $0xD;
	s14 =	ssub.s32 @!p1 s14, s15  }
0x24: {  	s15 =	sand.u32 @!p1 $0x2000, s16;
	s16 =	sadd.s32 @!p1 s6, s17;
	s14 =	sshll.u32 @!p1 s14, $0x4  }
0x25: {  	s17 =	simm.s32 @!p1 $0x6400;
	s14 =	sadd.s32 @!p1 s14, s16;
	s16 =	simm.s32 @!p1 $0x40  }
0x26: {  	[tilespmem:s15], [sflag:$0x1] =	stream.strided.gather @!p1 [hbm4b:s14+s16], $0x2000, s17, s16, $0x38;
	[tilespmem:$0x8080] =	vst v63  }
0x27: {  	p1 =	sge.u32 s31, s5  }
.Ltmp2:
0x28: {  	_ = 	snop;
	(pc) =	sbr.rel @p1 .LBB1_5-.Ltmp2, $1  }
0x29: {  	_ =	sdelay $0x3  }
0x2a: {  	s14 =	simm.s32 $0x1  }
0x2b: {  	_ =	swait.ge [sflag:s4], $0x2000;
	s14 =	simm.s32 @!p0 $0x0  }
0x2c: {  	[sflag:s4] =	ssyncset.done $0x0;
	s15 =	sshll.u32 s14, $0xD  }
0x2d: {  	[sflag:s4] =	ssyncadd.s32 $0xFFFFE000;
	s18 =	sor.u32 $0x20, s15  }
0x2e: {  	s14 =	smul.u32 $0x8100, s14;
	v3 =	vld [tilespmem:s18+$0x10]  }
0x2f: {  	s30 =	sand.u32 $0x1, s11;
	v2 =	vld [tilespmem:s18+$0xFFFFFFF0]  }
0x30: {  	s15 =	smul.u32 $0x8100, s30;
	s14 =	sshrl.u32 s14, $0x2;
	v0 =	vld [tilespmem:s18+$0x0]  }
0x31: {  	v1 =	vld [tilespmem:s18+$0xFFFFFFE0];
	s16 =	sor.u32 $0x4000, s14  }
0x32: {  	s31 =	sshrl.u32 s15, $0x2;
	s15 =	sadd.s32 $0x0, s16  }
0x33: {  	s17 =	simm.s32 $0x4;
	s18 =	sadd.s32 $0x40, s18;
	s14 =	sor.u32 $0x4000, s31;
	[tilespmem:s15+$0x1830 ss:$0x81] =	vst.msk $0xffff, v3  }
.LBB1_3:
0x34: {  	v3 =	vld [tilespmem:s18+$0x10];
	p1 =	sne.s32 s17, $0x1FC;
	[tilespmem:s15+$0x810 ss:$0x81] =	vst.msk $0xffff, v2;
	s19 =	smov.u32 s17;
	s17 =	sadd.s32 $0x4, s17  }
.Ltmp3:
0x35: {  	v2 =	vld [tilespmem:s18+$0xFFFFFFF0];
	[tilespmem:s15+$0x1020 ss:$0x81] =	vst.msk $0xffff, v0;
	(pc) =	sbr.rel @p1 .LBB1_3-.Ltmp3, $4  }
0x36: {  	v0 =	vld [tilespmem:s18+$0x0];
	[tilespmem:s15+$0x0 ss:$0x81] =	vst.msk $0xffff, v1  }
0x37: {  	s15 =	sshra.s32 s19, $0x2;
	v1 =	vld [tilespmem:s18+$0xFFFFFFE0]  }
0x38: {  	s15 =	sadd.s32 s15, s16  }
0x39: {  	s18 =	sadd.s32 $0x40, s18;
	[tilespmem:s15+$0x1830 ss:$0x81] =	vst.msk $0xffff, v3  }
.Ltmp4:
0x3a: {  	_ = 	snop;
	(pc) =	sbr.rel .LBB1_4-.Ltmp4, $1  }
0x3b: {  	_ =	sdelay $0x3  }
.LBB1_6:
0x3c: {  	_ =	sfence.sel $0x180000  }
0x3d: {  	s2 =	simm.s32 $0x1;
	[bflag:$0x0] =	sbarrier.arrive $0xFFFF  }
0x3e: {  	s31 =	simm.s32 $0x2;
	[sflag:s2] =	ssyncpa.u1 $0x1  }
0x3f: {  	[sflag:s31] =	ssyncpa.u1 $0x1  }
0x40: {  	p0 =	sne.s32 s0, $0x0;
	_ =	strace $0x9000004A  }
0x41: {  	s0 =	sadd.s32 @!p0 $0x100000, s1;
	[bflag:$0x2] =	sbarrier.arrive $0xFFFF  }
0x42: {  	[sflag:s0] =	ssyncadd.tile.s32 @!p0 $0x1;
	_ =	shalt  }
.Lfunc_end1:
_tile_overlayer_lowered:
.L_overlay_start_2:
0x43: {  	(tag) =	ssettag $0x2  }
0x44: {  	s0 =	rddreg [dreg:$0x0];
	s2 =	stileid.u32  }
0x45: {  	s1 =	rddreg [dreg:$0x1];
	p0 =	sne.s32 s2, $0x0  }
0x46: {  	s3 =	rddreg [dreg:$0x2];
	[bflag:$0x3] =	sbarrier.arrive $0xFFFF;
	s2 =	simm.s32 @!p0 $0x1C01  }
0x47: {  	[timem:s3], [sflag:s2] =	dma.local @!p0 [hbm:s0], s1  }
0x48: {  	s0 =	simm.s32 @!p0 $0x1  }
0x49: {  	_ =	swait.ge @!p0 [sflag:s0], s1  }
0x4a: {  	s1 =	ssub.s32 @!p0 $0x0, s1;
	[sflag:s0] =	ssyncset.done @!p0 $0x0  }
0x4b: {  	[sflag:s0] =	ssyncadd.s32 @!p0 s1  }
0x4c: {  	[bflag:$0x3] =	sbarrier.arrive $0xFFFF  }
0x4d: {  	_ =	shalt  }

</sc_bundles>
